<compile_context>
chip_gen: v7x
topology: tpu7x:2x2x1
jax: 0.10.2.dev20260603
libtpu: 0.0.44.dev20260713+nightly
codegen_flags: <defaults>
</compile_context>

<pallas_src>
import functools

import jax
import jax.numpy as jnp
from jax import lax
from jax.experimental import pallas as pl
from jax.experimental.pallas import tpu as pltpu
from jax.experimental.pallas import tpu_sc as plsc

D = 32
CH = 128


@functools.lru_cache(maxsize=None)
def _make_propagate(n_nodes, e_pad):
    info = plsc.get_sparse_core_info()
    nc, ns = info.num_cores, info.num_subcores
    nw = nc * ns
    per_w = e_pad // nw
    n_iter = per_w // CH
    assert per_w % CH == 0 and e_pad % nw == 0
    agg_rows = per_w
    assert agg_rows >= n_nodes + 1 and agg_rows % ns == 0
    zrows = agg_rows // ns
    zb = zrows // 8
    assert zrows % zb == 0
    rows_out = -(-(-(-n_nodes // ns)) // 8) * 8
    n_out = rows_out * ns
    assert n_out >= n_nodes and agg_rows >= n_out

    mesh = plsc.VectorSubcoreMesh(core_axis_name="c", subcore_axis_name="s")

    @functools.partial(
        pl.kernel,
        mesh=mesh,
        out_type=jax.ShapeDtypeStruct((nc, n_out, D), jnp.float32),
        compiler_params=pltpu.CompilerParams(use_tc_tiling_on_sc=False),
        scratch_types=[
            pltpu.VMEM((CH,), jnp.int32),
            pltpu.VMEM((CH,), jnp.int32),
            pltpu.VMEM((CH, D), jnp.float32),
            pltpu.VMEM((zb, D), jnp.float32),
            pltpu.VMEM_SHARED((agg_rows, D), jnp.float32),
            pltpu.SemaphoreType.DMA,
        ],
    )
    def propagate(src_hbm, dst_hbm, h_hbm, out_hbm,
                  src_v, dst_v, msgs_v, zero_v, agg_sh, sem):
        c = lax.axis_index("c")
        s = lax.axis_index("s")
        wid = s * nc + c

        zvec = jnp.zeros((16,), jnp.float32)

        def zrow(r, carry):
            zero_v[r, pl.ds(0, 16)] = zvec
            zero_v[r, pl.ds(16, 16)] = zvec
            return carry

        lax.fori_loop(0, zb, zrow, 0)

        def zcopy(i, carry):
            pltpu.sync_copy(zero_v, agg_sh.at[pl.ds(s * zrows + i * zb, zb)])
            return carry

        lax.fori_loop(0, zrows // zb, zcopy, 0)
        plsc.subcore_barrier()

        base = wid * per_w

        def edge_step(i, carry):
            off = base + i * CH
            pltpu.sync_copy(src_hbm.at[pl.ds(off, CH)], src_v)
            pltpu.sync_copy(dst_hbm.at[pl.ds(off, CH)], dst_v)
            pltpu.async_copy(h_hbm.at[src_v], msgs_v, sem).wait()
            pltpu.sync_copy(msgs_v, agg_sh.at[dst_v], add=True)
            return carry

        lax.fori_loop(0, n_iter, edge_step, 0)
        plsc.subcore_barrier()

        r0 = s * rows_out
        pltpu.sync_copy(agg_sh.at[pl.ds(r0, rows_out)],
                        out_hbm.at[c, pl.ds(r0, rows_out)])

    return propagate


_DN = (((1,), (1,)), ((), ()))


def _lin_body(x_ref, w_ref, b_ref, o_ref):
    o_ref[...] = lax.dot_general(
        x_ref[...], w_ref[...], _DN, preferred_element_type=jnp.float32
    ) + b_ref[...]


def _fuse_body(p_ref, h_ref, w_ref, b_ref, o_ref):
    x = jax.nn.relu(p_ref[0] + p_ref[1] + h_ref[...])
    o_ref[...] = lax.dot_general(
        x, w_ref[...], _DN, preferred_element_type=jnp.float32
    ) + b_ref[...]


def _final_body(p_ref, h_ref, o_ref):
    o_ref[...] = jax.nn.relu(p_ref[0] + p_ref[1] + h_ref[...])


def _row_grid(n_rows, blk):
    assert n_rows % blk == 0
    return n_rows // blk


_BLK = 2000


def _lin(x, w, b):
    n = x.shape[0]
    return pl.pallas_call(
        _lin_body,
        grid=(_row_grid(n, _BLK),),
        in_specs=[
            pl.BlockSpec((_BLK, D), lambda i: (i, 0)),
            pl.BlockSpec((D, D), lambda i: (0, 0)),
            pl.BlockSpec((1, D), lambda i: (0, 0)),
        ],
        out_specs=pl.BlockSpec((_BLK, D), lambda i: (i, 0)),
        out_shape=jax.ShapeDtypeStruct((n, D), jnp.float32),
    )(x, w, b.reshape(1, D))


def _fuse(p, h, w, b):
    n = h.shape[0]
    return pl.pallas_call(
        _fuse_body,
        grid=(_row_grid(n, _BLK),),
        in_specs=[
            pl.BlockSpec((2, _BLK, D), lambda i: (0, i, 0)),
            pl.BlockSpec((_BLK, D), lambda i: (i, 0)),
            pl.BlockSpec((D, D), lambda i: (0, 0)),
            pl.BlockSpec((1, D), lambda i: (0, 0)),
        ],
        out_specs=pl.BlockSpec((_BLK, D), lambda i: (i, 0)),
        out_shape=jax.ShapeDtypeStruct((n, D), jnp.float32),
    )(p, h, w, b.reshape(1, D))


def _final(p, h):
    n = h.shape[0]
    return pl.pallas_call(
        _final_body,
        grid=(_row_grid(n, _BLK),),
        in_specs=[
            pl.BlockSpec((2, _BLK, D), lambda i: (0, i, 0)),
            pl.BlockSpec((_BLK, D), lambda i: (i, 0)),
        ],
        out_specs=pl.BlockSpec((_BLK, D), lambda i: (i, 0)),
        out_shape=jax.ShapeDtypeStruct((n, D), jnp.float32),
    )(p, h)


def kernel(edge_index, row_embed, col_embed, W0, b0, W1, b1, W2, b2):
    n_rows = row_embed.shape[0]
    n_cols = col_embed.shape[0]
    n_nodes = n_rows + n_cols
    e = edge_index.shape[1]

    nw = 32
    per_w = -(-e // (nw * CH)) * CH
    e_pad = per_w * nw
    pad = e_pad - e

    src = edge_index[0].astype(jnp.int32)
    dst = edge_index[1].astype(jnp.int32)
    if pad:
        src = jnp.concatenate([src, jnp.zeros((pad,), jnp.int32)])
        dst = jnp.concatenate([dst, jnp.full((pad,), n_nodes, jnp.int32)])

    propagate = _make_propagate(n_nodes, e_pad)

    x0 = jnp.concatenate([row_embed, col_embed], axis=0)
    h = _lin(x0, W0, b0)
    p = propagate(src, dst, h)
    h = _fuse(p, h, W1, b1)
    p = propagate(src, dst, h)
    h = _fuse(p, h, W2, b2)
    p = propagate(src, dst, h)
    x3 = _final(p, h)
    return (x3[:n_rows], x3[n_rows:])

# --- scband reference (transcript-rebuilt; emitter-appended) ---
"""Pipeline reference for scband-gnn-lrmc-16234976379023 (READ-ONLY COPY).

The authoritative reference and input builder live on the scoring server;
editing this copy changes nothing except your own understanding.
"""

import jax, jax.numpy as jnp
import numpy as np

NUM_ROWS = 25000
NUM_COLS = 25000
EMBED_DIM = 32
NUM_EDGES = 1600000


def setup_inputs(seed: int = 0) -> dict:
    key = jax.random.key(seed)
    ks = jax.random.split(key, 10)
    N_total = NUM_ROWS + NUM_COLS
    edge_index = jax.random.randint(ks[0], (2, NUM_EDGES), 0, N_total)
    bound = 1.0 / np.sqrt(EMBED_DIM)
    row_embed = jax.random.uniform(ks[1], (NUM_ROWS, EMBED_DIM), minval=-bound, maxval=bound, dtype=jnp.float32)
    col_embed = jax.random.uniform(ks[2], (NUM_COLS, EMBED_DIM), minval=-bound, maxval=bound, dtype=jnp.float32)
    # kaiming-uniform-like init for linear layers (fan_in = EMBED_DIM, relu gain)
    kb = np.sqrt(6.0 / EMBED_DIM)
    W0 = jax.random.uniform(ks[3], (EMBED_DIM, EMBED_DIM), minval=-kb, maxval=kb, dtype=jnp.float32)
    W1 = jax.random.uniform(ks[4], (EMBED_DIM, EMBED_DIM), minval=-kb, maxval=kb, dtype=jnp.float32)
    W2 = jax.random.uniform(ks[5], (EMBED_DIM, EMBED_DIM), minval=-kb, maxval=kb, dtype=jnp.float32)
    b0 = jnp.zeros((EMBED_DIM,), dtype=jnp.float32)
    b1 = jnp.zeros((EMBED_DIM,), dtype=jnp.float32)
    b2 = jnp.zeros((EMBED_DIM,), dtype=jnp.float32)
    return {"edge_index": edge_index, "row_embed": row_embed, "col_embed": col_embed,
            "W0": W0, "b0": b0, "W1": W1, "b1": b1, "W2": W2, "b2": b2}


def reference(edge_index, row_embed, col_embed, W0, b0, W1, b1, W2, b2):
    N = row_embed.shape[0]
    M = col_embed.shape[0]
    x = jnp.concatenate([row_embed, col_embed], axis=0)
    # add self loops over all N+M nodes
    loops = jnp.arange(N + M, dtype=edge_index.dtype)
    src = jnp.concatenate([edge_index[0], loops])
    dst = jnp.concatenate([edge_index[1], loops])
    for W, b in ((W0, b0), (W1, b1), (W2, b2)):
        h = x @ W.T + b              # Linear
        msgs = jnp.take(h, src, axis=0)  # gather messages from source nodes
        agg = jnp.zeros_like(h).at[dst].add(msgs)  # scatter-add to targets
        x = jax.nn.relu(agg)
    return (x[:N], x[N:])

if __name__ == "__main__":
    import jax
    _d = setup_inputs()
    print(jax.jit(kernel)(*tuple(_d.values())))

</pallas_src>

<mosaic_0001>
#map = affine_map<(d0, d1) -> (0)>
#map1 = affine_map<(d0, d1) -> (0, 0)>
#map2 = affine_map<(d0, d1) -> (0, 0, 0)>
module attributes {stable_mosaic.version = 14 : i64} {
  func.func @propagate(%arg0: i32, %arg1: i32, %arg2: memref<1601536xi32, #tpu.memory_space<hbm>>, %arg3: memref<1601536xi32, #tpu.memory_space<hbm>>, %arg4: memref<50000x32xf32, #tpu.memory_space<hbm>>, %arg5: memref<2x50048x32xf32, #tpu.memory_space<hbm>>, %arg6: memref<128xi32, #tpu.memory_space<vmem>>, %arg7: memref<128xi32, #tpu.memory_space<vmem>>, %arg8: memref<128x32xf32, #tpu.memory_space<vmem>>, %arg9: memref<391x32xf32, #tpu.memory_space<vmem>>, %arg10: memref<50048x32xf32, #tpu.memory_space<vmem_shared>>, %arg11: memref<!tpu.dma_semaphore, #tpu.memory_space<semaphore_mem>>) attributes {dimension_semantics = [#tpu.dimension_semantics<core_parallel>, #tpu.dimension_semantics<subcore_parallel>], iteration_bounds = array<i64: 2, 16>, scalar_prefetch = 0 : i64, scratch_operands = 6 : i64, tpu.core_type = #tpu.core_type<sc_vector_subcore>, window_params = [{transform_indices = #map}, {transform_indices = #map}, {transform_indices = #map1}, {transform_indices = #map2}]} {
    %mul3A = arith.constant 2 : i32
    %mul3A_0 = arith.muli %arg1, %mul3A : i32
    %add3A = arith.addi %mul3A_0, %arg0 : i32
    %broadcast_in_dim3A = arith.constant 0.000000e+00 : f32
    %broadcast_in_dim3A_1 = vector.broadcast %broadcast_in_dim3A : f32 to vector<16xf32>
    %scan3A = arith.constant 0 : i32
    %scan3A_2 = arith.constant 0 : i32
    %scan3A_3 = arith.constant 391 : i32
    %scan3A_4 = arith.addi %scan3A_2, %scan3A_3 : i32
    %scan3A_5 = arith.constant 1 : i32
    scf.for %scan3A_24 = %scan3A_2 to %scan3A_4 step %scan3A_5  : i32 {
      %swap3A = arith.index_cast %scan3A_24 : i32 to index
      %swap3A_25 = arith.constant 0 : index
      %swap3A_26 = tpu.vector_load %arg9[%swap3A, %swap3A_25] {strides = array<i32>} : memref<391x32xf32, #tpu.memory_space<vmem>>, vector<1x16xf32>,
      %swap3A_27 = vector.shape_cast %swap3A_26 : vector<1x16xf32> to vector<16xf32>
      %swap3A_28 = vector.shape_cast %broadcast_in_dim3A_1 : vector<16xf32> to vector<1x16xf32>
      tpu.vector_store %arg9[%swap3A, %swap3A_25], %swap3A_28 {strides = array<i32>} : memref<391x32xf32, #tpu.memory_space<vmem>>, vector<1x16xf32>,
      %swap3A_29 = arith.index_cast %scan3A_24 : i32 to index
      %swap3A_30 = arith.constant 16 : index
      %swap3A_31 = tpu.vector_load %arg9[%swap3A_29, %swap3A_30] {strides = array<i32>} : memref<391x32xf32, #tpu.memory_space<vmem>>, vector<1x16xf32>,
      %swap3A_32 = vector.shape_cast %swap3A_31 : vector<1x16xf32> to vector<16xf32>
      %swap3A_33 = vector.shape_cast %broadcast_in_dim3A_1 : vector<16xf32> to vector<1x16xf32>
      tpu.vector_store %arg9[%swap3A_29, %swap3A_30], %swap3A_33 {strides = array<i32>} : memref<391x32xf32, #tpu.memory_space<vmem>>, vector<1x16xf32>,
    }
    %scan3A_6 = arith.constant 391 : i32
    %scan3A_7 = arith.constant 0 : i32
    %scan3A_8 = arith.constant 0 : i32
    %scan3A_9 = arith.constant 8 : i32
    %scan3A_10 = arith.addi %scan3A_8, %scan3A_9 : i32
    %scan3A_11 = arith.constant 1 : i32
    scf.for %scan3A_24 = %scan3A_8 to %scan3A_10 step %scan3A_11  : i32 {
      %mul3A_25 = arith.constant 3128 : i32
      %mul3A_26 = arith.muli %arg1, %mul3A_25 : i32
      %mul3A_27 = arith.constant 391 : i32
      %mul3A_28 = arith.muli %scan3A_24, %mul3A_27 : i32
      %add3A_29 = arith.addi %mul3A_26, %mul3A_28 : i32
      "tpu.region"() ({
        %run_scoped3A = tpu.sem_alloc : memref<!tpu.dma_semaphore, #tpu.memory_space<semaphore_mem>>
        %dma_start3A = arith.constant 0 : i32
        %dma_start3A_30 = tpu.memref_slice %arg10[%add3A_29, %dma_start3A] : memref<50048x32xf32, #tpu.memory_space<vmem_shared>> -> memref<391x32xf32, #tpu.memory_space<vmem_shared>>
        %dma_start3A_31 = arith.constant 0 : i32
        %dma_start3A_32 = tpu.memref_slice %arg10[%add3A_29, %dma_start3A_31] : memref<50048x32xf32, #tpu.memory_space<vmem_shared>> -> memref<391x32xf32, #tpu.memory_space<vmem_shared>>
        tpu.enqueue_dma source(%arg9 : memref<391x32xf32, #tpu.memory_space<vmem>>) target(%dma_start3A_32 : memref<391x32xf32, #tpu.memory_space<vmem_shared>>) target_semaphore(%run_scoped3A : memref<!tpu.dma_semaphore, #tpu.memory_space<semaphore_mem>>)
        %dma_wait3A = arith.constant 0 : i32
        %dma_wait3A_33 = tpu.memref_slice %arg10[%add3A_29, %dma_wait3A] : memref<50048x32xf32, #tpu.memory_space<vmem_shared>> -> memref<391x32xf32, #tpu.memory_space<vmem_shared>>
        %dma_wait3A_34 = arith.constant 0 : i32
        %dma_wait3A_35 = tpu.memref_slice %arg10[%add3A_29, %dma_wait3A_34] : memref<50048x32xf32, #tpu.memory_space<vmem_shared>> -> memref<391x32xf32, #tpu.memory_space<vmem_shared>>
        tpu.wait_dma2 semaphore(%run_scoped3A : memref<!tpu.dma_semaphore, #tpu.memory_space<semaphore_mem>>) src(%arg9 : memref<391x32xf32, #tpu.memory_space<vmem>>) dst(%dma_wait3A_35 : memref<391x32xf32, #tpu.memory_space<vmem_shared>>)
        tpu.yield
      }) : () -> ()
    }
    %scan3A_12 = arith.constant 8 : i32
    %barrier3A = arith.constant 0 : index
    tpu.barrier barrier_id(%barrier3A)
    %mul3A_13 = arith.constant 50048 : i32
    %mul3A_14 = arith.muli %add3A, %mul3A_13 : i32
    %scan3A_15 = arith.constant 0 : i32
    %scan3A_16 = arith.constant 0 : i32
    %scan3A_17 = arith.constant 391 : i32
    %scan3A_18 = arith.addi %scan3A_16, %scan3A_17 : i32
    %scan3A_19 = arith.constant 1 : i32
    scf.for %scan3A_24 = %scan3A_16 to %scan3A_18 step %scan3A_19  : i32 {
      %mul3A_25 = arith.constant 128 : i32
      %mul3A_26 = arith.muli %scan3A_24, %mul3A_25 : i32
      %add3A_27 = arith.addi %mul3A_14, %mul3A_26 : i32
      "tpu.region"() ({
        %run_scoped3A = tpu.sem_alloc : memref<!tpu.dma_semaphore, #tpu.memory_space<semaphore_mem>>
        %dma_start3A_32 = tpu.memref_slice %arg2[%add3A_27] : memref<1601536xi32, #tpu.memory_space<hbm>> -> memref<128xi32, #tpu.memory_space<hbm>>
        %dma_start3A_33 = tpu.memref_slice %arg2[%add3A_27] : memref<1601536xi32, #tpu.memory_space<hbm>> -> memref<128xi32, #tpu.memory_space<hbm>>
        tpu.enqueue_dma source(%dma_start3A_33 : memref<128xi32, #tpu.memory_space<hbm>>) target(%arg6 : memref<128xi32, #tpu.memory_space<vmem>>) target_semaphore(%run_scoped3A : memref<!tpu.dma_semaphore, #tpu.memory_space<semaphore_mem>>)
        %dma_wait3A_34 = tpu.memref_slice %arg2[%add3A_27] : memref<1601536xi32, #tpu.memory_space<hbm>> -> memref<128xi32, #tpu.memory_space<hbm>>
        %dma_wait3A_35 = tpu.memref_slice %arg2[%add3A_27] : memref<1601536xi32, #tpu.memory_space<hbm>> -> memref<128xi32, #tpu.memory_space<hbm>>
        tpu.wait_dma2 semaphore(%run_scoped3A : memref<!tpu.dma_semaphore, #tpu.memory_space<semaphore_mem>>) src(%dma_wait3A_35 : memref<128xi32, #tpu.memory_space<hbm>>) dst(%arg6 : memref<128xi32, #tpu.memory_space<vmem>>)
        tpu.yield
      }) : () -> ()
      "tpu.region"() ({
        %run_scoped3A = tpu.sem_alloc : memref<!tpu.dma_semaphore, #tpu.memory_space<semaphore_mem>>
        %dma_start3A_32 = tpu.memref_slice %arg3[%add3A_27] : memref<1601536xi32, #tpu.memory_space<hbm>> -> memref<128xi32, #tpu.memory_space<hbm>>
        %dma_start3A_33 = tpu.memref_slice %arg3[%add3A_27] : memref<1601536xi32, #tpu.memory_space<hbm>> -> memref<128xi32, #tpu.memory_space<hbm>>
        tpu.enqueue_dma source(%dma_start3A_33 : memref<128xi32, #tpu.memory_space<hbm>>) target(%arg7 : memref<128xi32, #tpu.memory_space<vmem>>) target_semaphore(%run_scoped3A : memref<!tpu.dma_semaphore, #tpu.memory_space<semaphore_mem>>)
        %dma_wait3A_34 = tpu.memref_slice %arg3[%add3A_27] : memref<1601536xi32, #tpu.memory_space<hbm>> -> memref<128xi32, #tpu.memory_space<hbm>>
        %dma_wait3A_35 = tpu.memref_slice %arg3[%add3A_27] : memref<1601536xi32, #tpu.memory_space<hbm>> -> memref<128xi32, #tpu.memory_space<hbm>>
        tpu.wait_dma2 semaphore(%run_scoped3A : memref<!tpu.dma_semaphore, #tpu.memory_space<semaphore_mem>>) src(%dma_wait3A_35 : memref<128xi32, #tpu.memory_space<hbm>>) dst(%arg7 : memref<128xi32, #tpu.memory_space<vmem>>)
        tpu.yield
      }) : () -> ()
      %dma_start3A = arith.constant 0 : i32
      %dma_start3A_28 = arith.constant 0 : i32
      %dma_start3A_29 = tpu.memref_slice %arg4[%dma_start3A, %dma_start3A_28] : memref<50000x32xf32, #tpu.memory_space<hbm>> -> memref<50000x32xf32, #tpu.memory_space<hbm>>
      tpu.enqueue_indirect_dma source(%dma_start3A_29 : memref<50000x32xf32, #tpu.memory_space<hbm>>) target(%arg8 : memref<128x32xf32, #tpu.memory_space<vmem>>) offsets(%arg6 : memref<128xi32, #tpu.memory_space<vmem>>) semaphore(%arg11 : memref<!tpu.dma_semaphore, #tpu.memory_space<semaphore_mem>>)
      %dma_wait3A = arith.constant 0 : i32
      %dma_wait3A_30 = arith.constant 0 : i32
      %dma_wait3A_31 = tpu.memref_slice %arg4[%dma_wait3A, %dma_wait3A_30] : memref<50000x32xf32, #tpu.memory_space<hbm>> -> memref<50000x32xf32, #tpu.memory_space<hbm>>
      tpu.wait_indirect_dma semaphore(%arg11 : memref<!tpu.dma_semaphore, #tpu.memory_space<semaphore_mem>>) src(%dma_wait3A_31 : memref<50000x32xf32, #tpu.memory_space<hbm>>) dst(%arg8 : memref<128x32xf32, #tpu.memory_space<vmem>>)
      "tpu.region"() ({
        %run_scoped3A = tpu.sem_alloc : memref<!tpu.dma_semaphore, #tpu.memory_space<semaphore_mem>>
        %dma_start3A_32 = arith.constant 0 : i32
        %dma_start3A_33 = arith.constant 0 : i32
        %dma_start3A_34 = tpu.memref_slice %arg10[%dma_start3A_32, %dma_start3A_33] : memref<50048x32xf32, #tpu.memory_space<vmem_shared>> -> memref<50048x32xf32, #tpu.memory_space<vmem_shared>>
        tpu.enqueue_indirect_dma source(%arg8 : memref<128x32xf32, #tpu.memory_space<vmem>>) target(%dma_start3A_34 : memref<50048x32xf32, #tpu.memory_space<vmem_shared>>) offsets(%arg7 : memref<128xi32, #tpu.memory_space<vmem>>) semaphore(%run_scoped3A : memref<!tpu.dma_semaphore, #tpu.memory_space<semaphore_mem>>) {add = true}
        %dma_wait3A_35 = arith.constant 0 : i32
        %dma_wait3A_36 = arith.constant 0 : i32
        %dma_wait3A_37 = tpu.memref_slice %arg10[%dma_wait3A_35, %dma_wait3A_36] : memref<50048x32xf32, #tpu.memory_space<vmem_shared>> -> memref<50048x32xf32, #tpu.memory_space<vmem_shared>>
        tpu.wait_indirect_dma semaphore(%run_scoped3A : memref<!tpu.dma_semaphore, #tpu.memory_space<semaphore_mem>>) src(%arg8 : memref<128x32xf32, #tpu.memory_space<vmem>>) dst(%dma_wait3A_37 : memref<50048x32xf32, #tpu.memory_space<vmem_shared>>)
        tpu.yield
      }) : () -> ()
    }
    %scan3A_20 = arith.constant 391 : i32
    %barrier3A_21 = arith.constant 0 : index
    tpu.barrier barrier_id(%barrier3A_21)
    %mul3A_22 = arith.constant 3128 : i32
    %mul3A_23 = arith.muli %arg1, %mul3A_22 : i32
    "tpu.region"() ({
      %run_scoped3A = tpu.sem_alloc : memref<!tpu.dma_semaphore, #tpu.memory_space<semaphore_mem>>
      %dma_start3A = arith.constant 0 : i32
      %dma_start3A_24 = tpu.memref_slice %arg5[%arg0, %mul3A_23, %dma_start3A] : memref<2x50048x32xf32, #tpu.memory_space<hbm>> -> memref<1x3128x32xf32, #tpu.memory_space<hbm>>
      %dma_start3A_25 = tpu.memref_squeeze %dma_start3A_24 : memref<1x3128x32xf32, #tpu.memory_space<hbm>> -> memref<3128x32xf32, #tpu.memory_space<hbm>>
      %dma_start3A_26 = arith.constant 0 : i32
      %dma_start3A_27 = tpu.memref_slice %arg10[%mul3A_23, %dma_start3A_26] : memref<50048x32xf32, #tpu.memory_space<vmem_shared>> -> memref<3128x32xf32, #tpu.memory_space<vmem_shared>>
      tpu.enqueue_dma source(%dma_start3A_27 : memref<3128x32xf32, #tpu.memory_space<vmem_shared>>) target(%dma_start3A_25 : memref<3128x32xf32, #tpu.memory_space<hbm>>) target_semaphore(%run_scoped3A : memref<!tpu.dma_semaphore, #tpu.memory_space<semaphore_mem>>)
      %dma_wait3A = arith.constant 0 : i32
      %dma_wait3A_28 = tpu.memref_slice %arg5[%arg0, %mul3A_23, %dma_wait3A] : memref<2x50048x32xf32, #tpu.memory_space<hbm>> -> memref<1x3128x32xf32, #tpu.memory_space<hbm>>
      %dma_wait3A_29 = tpu.memref_squeeze %dma_wait3A_28 : memref<1x3128x32xf32, #tpu.memory_space<hbm>> -> memref<3128x32xf32, #tpu.memory_space<hbm>>
      %dma_wait3A_30 = arith.constant 0 : i32
      %dma_wait3A_31 = tpu.memref_slice %arg10[%mul3A_23, %dma_wait3A_30] : memref<50048x32xf32, #tpu.memory_space<vmem_shared>> -> memref<3128x32xf32, #tpu.memory_space<vmem_shared>>
      tpu.wait_dma2 semaphore(%run_scoped3A : memref<!tpu.dma_semaphore, #tpu.memory_space<semaphore_mem>>) src(%dma_wait3A_31 : memref<3128x32xf32, #tpu.memory_space<vmem_shared>>) dst(%dma_wait3A_29 : memref<3128x32xf32, #tpu.memory_space<hbm>>)
      tpu.yield
    }) : () -> ()
    return
  }
}

#map = affine_map<(d0, d1) -> (0)>
#map1 = affine_map<(d0, d1) -> (0, 0)>
#map2 = affine_map<(d0, d1) -> (0, 0, 0)>
module attributes {stable_mosaic.version = 14 : i64} {
  func.func @propagate(%arg0: i32, %arg1: i32, %arg2: memref<1601536xi32, #tpu.memory_space<hbm>>, %arg3: memref<1601536xi32, #tpu.memory_space<hbm>>, %arg4: memref<50000x32xf32, #tpu.memory_space<hbm>>, %arg5: memref<2x50048x32xf32, #tpu.memory_space<hbm>>, %arg6: memref<128xi32, #tpu.memory_space<vmem>>, %arg7: memref<128xi32, #tpu.memory_space<vmem>>, %arg8: memref<128x32xf32, #tpu.memory_space<vmem>>, %arg9: memref<391x32xf32, #tpu.memory_space<vmem>>, %arg10: memref<50048x32xf32, #tpu.memory_space<vmem_shared>>, %arg11: memref<!tpu.dma_semaphore, #tpu.memory_space<semaphore_mem>>) attributes {dimension_semantics = [#tpu.dimension_semantics<core_parallel>, #tpu.dimension_semantics<subcore_parallel>], iteration_bounds = array<i64: 2, 16>, scalar_prefetch = 0 : i64, scratch_operands = 6 : i64, tpu.core_type = #tpu.core_type<sc_vector_subcore>, window_params = [{transform_indices = #map}, {transform_indices = #map}, {transform_indices = #map1}, {transform_indices = #map2}]} {
    %mul3A = arith.constant 2 : i32
    %mul3A_0 = arith.muli %arg1, %mul3A : i32
    %add3A = arith.addi %mul3A_0, %arg0 : i32
    %broadcast_in_dim3A = arith.constant 0.000000e+00 : f32
    %broadcast_in_dim3A_1 = vector.broadcast %broadcast_in_dim3A : f32 to vector<16xf32>
    %scan3A = arith.constant 0 : i32
    %scan3A_2 = arith.constant 0 : i32
    %scan3A_3 = arith.constant 391 : i32
    %scan3A_4 = arith.addi %scan3A_2, %scan3A_3 : i32
    %scan3A_5 = arith.constant 1 : i32
    scf.for %scan3A_24 = %scan3A_2 to %scan3A_4 step %scan3A_5  : i32 {
      %swap3A = arith.index_cast %scan3A_24 : i32 to index
      %swap3A_25 = arith.constant 0 : index
      %swap3A_26 = tpu.vector_load %arg9[%swap3A, %swap3A_25] {strides = array<i32>} : memref<391x32xf32, #tpu.memory_space<vmem>>, vector<1x16xf32>,
      %swap3A_27 = vector.shape_cast %swap3A_26 : vector<1x16xf32> to vector<16xf32>
      %swap3A_28 = vector.shape_cast %broadcast_in_dim3A_1 : vector<16xf32> to vector<1x16xf32>
      tpu.vector_store %arg9[%swap3A, %swap3A_25], %swap3A_28 {strides = array<i32>} : memref<391x32xf32, #tpu.memory_space<vmem>>, vector<1x16xf32>,
      %swap3A_29 = arith.index_cast %scan3A_24 : i32 to index
      %swap3A_30 = arith.constant 16 : index
      %swap3A_31 = tpu.vector_load %arg9[%swap3A_29, %swap3A_30] {strides = array<i32>} : memref<391x32xf32, #tpu.memory_space<vmem>>, vector<1x16xf32>,
      %swap3A_32 = vector.shape_cast %swap3A_31 : vector<1x16xf32> to vector<16xf32>
      %swap3A_33 = vector.shape_cast %broadcast_in_dim3A_1 : vector<16xf32> to vector<1x16xf32>
      tpu.vector_store %arg9[%swap3A_29, %swap3A_30], %swap3A_33 {strides = array<i32>} : memref<391x32xf32, #tpu.memory_space<vmem>>, vector<1x16xf32>,
    }
    %scan3A_6 = arith.constant 391 : i32
    %scan3A_7 = arith.constant 0 : i32
    %scan3A_8 = arith.constant 0 : i32
    %scan3A_9 = arith.constant 8 : i32
    %scan3A_10 = arith.addi %scan3A_8, %scan3A_9 : i32
    %scan3A_11 = arith.constant 1 : i32
    scf.for %scan3A_24 = %scan3A_8 to %scan3A_10 step %scan3A_11  : i32 {
      %mul3A_25 = arith.constant 3128 : i32
      %mul3A_26 = arith.muli %arg1, %mul3A_25 : i32
      %mul3A_27 = arith.constant 391 : i32
      %mul3A_28 = arith.muli %scan3A_24, %mul3A_27 : i32
      %add3A_29 = arith.addi %mul3A_26, %mul3A_28 : i32
      "tpu.region"() ({
        %run_scoped3A = tpu.sem_alloc : memref<!tpu.dma_semaphore, #tpu.memory_space<semaphore_mem>>
        %dma_start3A = arith.constant 0 : i32
        %dma_start3A_30 = tpu.memref_slice %arg10[%add3A_29, %dma_start3A] : memref<50048x32xf32, #tpu.memory_space<vmem_shared>> -> memref<391x32xf32, #tpu.memory_space<vmem_shared>>
        %dma_start3A_31 = arith.constant 0 : i32
        %dma_start3A_32 = tpu.memref_slice %arg10[%add3A_29, %dma_start3A_31] : memref<50048x32xf32, #tpu.memory_space<vmem_shared>> -> memref<391x32xf32, #tpu.memory_space<vmem_shared>>
        tpu.enqueue_dma source(%arg9 : memref<391x32xf32, #tpu.memory_space<vmem>>) target(%dma_start3A_32 : memref<391x32xf32, #tpu.memory_space<vmem_shared>>) target_semaphore(%run_scoped3A : memref<!tpu.dma_semaphore, #tpu.memory_space<semaphore_mem>>)
        %dma_wait3A = arith.constant 0 : i32
        %dma_wait3A_33 = tpu.memref_slice %arg10[%add3A_29, %dma_wait3A] : memref<50048x32xf32, #tpu.memory_space<vmem_shared>> -> memref<391x32xf32, #tpu.memory_space<vmem_shared>>
        %dma_wait3A_34 = arith.constant 0 : i32
        %dma_wait3A_35 = tpu.memref_slice %arg10[%add3A_29, %dma_wait3A_34] : memref<50048x32xf32, #tpu.memory_space<vmem_shared>> -> memref<391x32xf32, #tpu.memory_space<vmem_shared>>
        tpu.wait_dma2 semaphore(%run_scoped3A : memref<!tpu.dma_semaphore, #tpu.memory_space<semaphore_mem>>) src(%arg9 : memref<391x32xf32, #tpu.memory_space<vmem>>) dst(%dma_wait3A_35 : memref<391x32xf32, #tpu.memory_space<vmem_shared>>)
        tpu.yield
      }) : () -> ()
    }
    %scan3A_12 = arith.constant 8 : i32
    %barrier3A = arith.constant 0 : index
    tpu.barrier barrier_id(%barrier3A)
    %mul3A_13 = arith.constant 50048 : i32
    %mul3A_14 = arith.muli %add3A, %mul3A_13 : i32
    %scan3A_15 = arith.constant 0 : i32
    %scan3A_16 = arith.constant 0 : i32
    %scan3A_17 = arith.constant 391 : i32
    %scan3A_18 = arith.addi %scan3A_16, %scan3A_17 : i32
    %scan3A_19 = arith.constant 1 : i32
    scf.for %scan3A_24 = %scan3A_16 to %scan3A_18 step %scan3A_19  : i32 {
      %mul3A_25 = arith.constant 128 : i32
      %mul3A_26 = arith.muli %scan3A_24, %mul3A_25 : i32
      %add3A_27 = arith.addi %mul3A_14, %mul3A_26 : i32
      "tpu.region"() ({
        %run_scoped3A = tpu.sem_alloc : memref<!tpu.dma_semaphore, #tpu.memory_space<semaphore_mem>>
        %dma_start3A_32 = tpu.memref_slice %arg2[%add3A_27] : memref<1601536xi32, #tpu.memory_space<hbm>> -> memref<128xi32, #tpu.memory_space<hbm>>
        %dma_start3A_33 = tpu.memref_slice %arg2[%add3A_27] : memref<1601536xi32, #tpu.memory_space<hbm>> -> memref<128xi32, #tpu.memory_space<hbm>>
        tpu.enqueue_dma source(%dma_start3A_33 : memref<128xi32, #tpu.memory_space<hbm>>) target(%arg6 : memref<128xi32, #tpu.memory_space<vmem>>) target_semaphore(%run_scoped3A : memref<!tpu.dma_semaphore, #tpu.memory_space<semaphore_mem>>)
        %dma_wait3A_34 = tpu.memref_slice %arg2[%add3A_27] : memref<1601536xi32, #tpu.memory_space<hbm>> -> memref<128xi32, #tpu.memory_space<hbm>>
        %dma_wait3A_35 = tpu.memref_slice %arg2[%add3A_27] : memref<1601536xi32, #tpu.memory_space<hbm>> -> memref<128xi32, #tpu.memory_space<hbm>>
        tpu.wait_dma2 semaphore(%run_scoped3A : memref<!tpu.dma_semaphore, #tpu.memory_space<semaphore_mem>>) src(%dma_wait3A_35 : memref<128xi32, #tpu.memory_space<hbm>>) dst(%arg6 : memref<128xi32, #tpu.memory_space<vmem>>)
        tpu.yield
      }) : () -> ()
      "tpu.region"() ({
        %run_scoped3A = tpu.sem_alloc : memref<!tpu.dma_semaphore, #tpu.memory_space<semaphore_mem>>
        %dma_start3A_32 = tpu.memref_slice %arg3[%add3A_27] : memref<1601536xi32, #tpu.memory_space<hbm>> -> memref<128xi32, #tpu.memory_space<hbm>>
        %dma_start3A_33 = tpu.memref_slice %arg3[%add3A_27] : memref<1601536xi32, #tpu.memory_space<hbm>> -> memref<128xi32, #tpu.memory_space<hbm>>
        tpu.enqueue_dma source(%dma_start3A_33 : memref<128xi32, #tpu.memory_space<hbm>>) target(%arg7 : memref<128xi32, #tpu.memory_space<vmem>>) target_semaphore(%run_scoped3A : memref<!tpu.dma_semaphore, #tpu.memory_space<semaphore_mem>>)
        %dma_wait3A_34 = tpu.memref_slice %arg3[%add3A_27] : memref<1601536xi32, #tpu.memory_space<hbm>> -> memref<128xi32, #tpu.memory_space<hbm>>
        %dma_wait3A_35 = tpu.memref_slice %arg3[%add3A_27] : memref<1601536xi32, #tpu.memory_space<hbm>> -> memref<128xi32, #tpu.memory_space<hbm>>
        tpu.wait_dma2 semaphore(%run_scoped3A : memref<!tpu.dma_semaphore, #tpu.memory_space<semaphore_mem>>) src(%dma_wait3A_35 : memref<128xi32, #tpu.memory_space<hbm>>) dst(%arg7 : memref<128xi32, #tpu.memory_space<vmem>>)
        tpu.yield
      }) : () -> ()
      %dma_start3A = arith.constant 0 : i32
      %dma_start3A_28 = arith.constant 0 : i32
      %dma_start3A_29 = tpu.memref_slice %arg4[%dma_start3A, %dma_start3A_28] : memref<50000x32xf32, #tpu.memory_space<hbm>> -> memref<50000x32xf32, #tpu.memory_space<hbm>>
      tpu.enqueue_indirect_dma source(%dma_start3A_29 : memref<50000x32xf32, #tpu.memory_space<hbm>>) target(%arg8 : memref<128x32xf32, #tpu.memory_space<vmem>>) offsets(%arg6 : memref<128xi32, #tpu.memory_space<vmem>>) semaphore(%arg11 : memref<!tpu.dma_semaphore, #tpu.memory_space<semaphore_mem>>)
      %dma_wait3A = arith.constant 0 : i32
      %dma_wait3A_30 = arith.constant 0 : i32
      %dma_wait3A_31 = tpu.memref_slice %arg4[%dma_wait3A, %dma_wait3A_30] : memref<50000x32xf32, #tpu.memory_space<hbm>> -> memref<50000x32xf32, #tpu.memory_space<hbm>>
      tpu.wait_indirect_dma semaphore(%arg11 : memref<!tpu.dma_semaphore, #tpu.memory_space<semaphore_mem>>) src(%dma_wait3A_31 : memref<50000x32xf32, #tpu.memory_space<hbm>>) dst(%arg8 : memref<128x32xf32, #tpu.memory_space<vmem>>)
      "tpu.region"() ({
        %run_scoped3A = tpu.sem_alloc : memref<!tpu.dma_semaphore, #tpu.memory_space<semaphore_mem>>
        %dma_start3A_32 = arith.constant 0 : i32
        %dma_start3A_33 = arith.constant 0 : i32
        %dma_start3A_34 = tpu.memref_slice %arg10[%dma_start3A_32, %dma_start3A_33] : memref<50048x32xf32, #tpu.memory_space<vmem_shared>> -> memref<50048x32xf32, #tpu.memory_space<vmem_shared>>
        tpu.enqueue_indirect_dma source(%arg8 : memref<128x32xf32, #tpu.memory_space<vmem>>) target(%dma_start3A_34 : memref<50048x32xf32, #tpu.memory_space<vmem_shared>>) offsets(%arg7 : memref<128xi32, #tpu.memory_space<vmem>>) semaphore(%run_scoped3A : memref<!tpu.dma_semaphore, #tpu.memory_space<semaphore_mem>>) {add = true}
        %dma_wait3A_35 = arith.constant 0 : i32
        %dma_wait3A_36 = arith.constant 0 : i32
        %dma_wait3A_37 = tpu.memref_slice %arg10[%dma_wait3A_35, %dma_wait3A_36] : memref<50048x32xf32, #tpu.memory_space<vmem_shared>> -> memref<50048x32xf32, #tpu.memory_space<vmem_shared>>
        tpu.wait_indirect_dma semaphore(%run_scoped3A : memref<!tpu.dma_semaphore, #tpu.memory_space<semaphore_mem>>) src(%arg8 : memref<128x32xf32, #tpu.memory_space<vmem>>) dst(%dma_wait3A_37 : memref<50048x32xf32, #tpu.memory_space<vmem_shared>>)
        tpu.yield
      }) : () -> ()
    }
    %scan3A_20 = arith.constant 391 : i32
    %barrier3A_21 = arith.constant 0 : index
    tpu.barrier barrier_id(%barrier3A_21)
    %mul3A_22 = arith.constant 3128 : i32
    %mul3A_23 = arith.muli %arg1, %mul3A_22 : i32
    "tpu.region"() ({
      %run_scoped3A = tpu.sem_alloc : memref<!tpu.dma_semaphore, #tpu.memory_space<semaphore_mem>>
      %dma_start3A = arith.constant 0 : i32
      %dma_start3A_24 = tpu.memref_slice %arg5[%arg0, %mul3A_23, %dma_start3A] : memref<2x50048x32xf32, #tpu.memory_space<hbm>> -> memref<1x3128x32xf32, #tpu.memory_space<hbm>>
      %dma_start3A_25 = tpu.memref_squeeze %dma_start3A_24 : memref<1x3128x32xf32, #tpu.memory_space<hbm>> -> memref<3128x32xf32, #tpu.memory_space<hbm>>
      %dma_start3A_26 = arith.constant 0 : i32
      %dma_start3A_27 = tpu.memref_slice %arg10[%mul3A_23, %dma_start3A_26] : memref<50048x32xf32, #tpu.memory_space<vmem_shared>> -> memref<3128x32xf32, #tpu.memory_space<vmem_shared>>
      tpu.enqueue_dma source(%dma_start3A_27 : memref<3128x32xf32, #tpu.memory_space<vmem_shared>>) target(%dma_start3A_25 : memref<3128x32xf32, #tpu.memory_space<hbm>>) target_semaphore(%run_scoped3A : memref<!tpu.dma_semaphore, #tpu.memory_space<semaphore_mem>>)
      %dma_wait3A = arith.constant 0 : i32
      %dma_wait3A_28 = tpu.memref_slice %arg5[%arg0, %mul3A_23, %dma_wait3A] : memref<2x50048x32xf32, #tpu.memory_space<hbm>> -> memref<1x3128x32xf32, #tpu.memory_space<hbm>>
      %dma_wait3A_29 = tpu.memref_squeeze %dma_wait3A_28 : memref<1x3128x32xf32, #tpu.memory_space<hbm>> -> memref<3128x32xf32, #tpu.memory_space<hbm>>
      %dma_wait3A_30 = arith.constant 0 : i32
      %dma_wait3A_31 = tpu.memref_slice %arg10[%mul3A_23, %dma_wait3A_30] : memref<50048x32xf32, #tpu.memory_space<vmem_shared>> -> memref<3128x32xf32, #tpu.memory_space<vmem_shared>>
      tpu.wait_dma2 semaphore(%run_scoped3A : memref<!tpu.dma_semaphore, #tpu.memory_space<semaphore_mem>>) src(%dma_wait3A_31 : memref<3128x32xf32, #tpu.memory_space<vmem_shared>>) dst(%dma_wait3A_29 : memref<3128x32xf32, #tpu.memory_space<hbm>>)
      tpu.yield
    }) : () -> ()
    return
  }
}

#map = affine_map<(d0, d1) -> (0)>
#map1 = affine_map<(d0, d1) -> (0, 0)>
#map2 = affine_map<(d0, d1) -> (0, 0, 0)>
module attributes {stable_mosaic.version = 14 : i64} {
  func.func @propagate(%arg0: i32, %arg1: i32, %arg2: memref<1601536xi32, #tpu.memory_space<hbm>>, %arg3: memref<1601536xi32, #tpu.memory_space<hbm>>, %arg4: memref<50000x32xf32, #tpu.memory_space<hbm>>, %arg5: memref<2x50048x32xf32, #tpu.memory_space<hbm>>, %arg6: memref<128xi32, #tpu.memory_space<vmem>>, %arg7: memref<128xi32, #tpu.memory_space<vmem>>, %arg8: memref<128x32xf32, #tpu.memory_space<vmem>>, %arg9: memref<391x32xf32, #tpu.memory_space<vmem>>, %arg10: memref<50048x32xf32, #tpu.memory_space<vmem_shared>>, %arg11: memref<!tpu.dma_semaphore, #tpu.memory_space<semaphore_mem>>) attributes {dimension_semantics = [#tpu.dimension_semantics<core_parallel>, #tpu.dimension_semantics<subcore_parallel>], iteration_bounds = array<i64: 2, 16>, scalar_prefetch = 0 : i64, scratch_operands = 6 : i64, tpu.core_type = #tpu.core_type<sc_vector_subcore>, window_params = [{transform_indices = #map}, {transform_indices = #map}, {transform_indices = #map1}, {transform_indices = #map2}]} {
    %mul3A = arith.constant 2 : i32
    %mul3A_0 = arith.muli %arg1, %mul3A : i32
    %add3A = arith.addi %mul3A_0, %arg0 : i32
    %broadcast_in_dim3A = arith.constant 0.000000e+00 : f32
    %broadcast_in_dim3A_1 = vector.broadcast %broadcast_in_dim3A : f32 to vector<16xf32>
    %scan3A = arith.constant 0 : i32
    %scan3A_2 = arith.constant 0 : i32
    %scan3A_3 = arith.constant 391 : i32
    %scan3A_4 = arith.addi %scan3A_2, %scan3A_3 : i32
    %scan3A_5 = arith.constant 1 : i32
    scf.for %scan3A_24 = %scan3A_2 to %scan3A_4 step %scan3A_5  : i32 {
      %swap3A = arith.index_cast %scan3A_24 : i32 to index
      %swap3A_25 = arith.constant 0 : index
      %swap3A_26 = tpu.vector_load %arg9[%swap3A, %swap3A_25] {strides = array<i32>} : memref<391x32xf32, #tpu.memory_space<vmem>>, vector<1x16xf32>,
      %swap3A_27 = vector.shape_cast %swap3A_26 : vector<1x16xf32> to vector<16xf32>
      %swap3A_28 = vector.shape_cast %broadcast_in_dim3A_1 : vector<16xf32> to vector<1x16xf32>
      tpu.vector_store %arg9[%swap3A, %swap3A_25], %swap3A_28 {strides = array<i32>} : memref<391x32xf32, #tpu.memory_space<vmem>>, vector<1x16xf32>,
      %swap3A_29 = arith.index_cast %scan3A_24 : i32 to index
      %swap3A_30 = arith.constant 16 : index
      %swap3A_31 = tpu.vector_load %arg9[%swap3A_29, %swap3A_30] {strides = array<i32>} : memref<391x32xf32, #tpu.memory_space<vmem>>, vector<1x16xf32>,
      %swap3A_32 = vector.shape_cast %swap3A_31 : vector<1x16xf32> to vector<16xf32>
      %swap3A_33 = vector.shape_cast %broadcast_in_dim3A_1 : vector<16xf32> to vector<1x16xf32>
      tpu.vector_store %arg9[%swap3A_29, %swap3A_30], %swap3A_33 {strides = array<i32>} : memref<391x32xf32, #tpu.memory_space<vmem>>, vector<1x16xf32>,
    }
    %scan3A_6 = arith.constant 391 : i32
    %scan3A_7 = arith.constant 0 : i32
    %scan3A_8 = arith.constant 0 : i32
    %scan3A_9 = arith.constant 8 : i32
    %scan3A_10 = arith.addi %scan3A_8, %scan3A_9 : i32
    %scan3A_11 = arith.constant 1 : i32
    scf.for %scan3A_24 = %scan3A_8 to %scan3A_10 step %scan3A_11  : i32 {
      %mul3A_25 = arith.constant 3128 : i32
      %mul3A_26 = arith.muli %arg1, %mul3A_25 : i32
      %mul3A_27 = arith.constant 391 : i32
      %mul3A_28 = arith.muli %scan3A_24, %mul3A_27 : i32
      %add3A_29 = arith.addi %mul3A_26, %mul3A_28 : i32
      "tpu.region"() ({
        %run_scoped3A = tpu.sem_alloc : memref<!tpu.dma_semaphore, #tpu.memory_space<semaphore_mem>>
        %dma_start3A = arith.constant 0 : i32
        %dma_start3A_30 = tpu.memref_slice %arg10[%add3A_29, %dma_start3A] : memref<50048x32xf32, #tpu.memory_space<vmem_shared>> -> memref<391x32xf32, #tpu.memory_space<vmem_shared>>
        %dma_start3A_31 = arith.constant 0 : i32
        %dma_start3A_32 = tpu.memref_slice %arg10[%add3A_29, %dma_start3A_31] : memref<50048x32xf32, #tpu.memory_space<vmem_shared>> -> memref<391x32xf32, #tpu.memory_space<vmem_shared>>
        tpu.enqueue_dma source(%arg9 : memref<391x32xf32, #tpu.memory_space<vmem>>) target(%dma_start3A_32 : memref<391x32xf32, #tpu.memory_space<vmem_shared>>) target_semaphore(%run_scoped3A : memref<!tpu.dma_semaphore, #tpu.memory_space<semaphore_mem>>)
        %dma_wait3A = arith.constant 0 : i32
        %dma_wait3A_33 = tpu.memref_slice %arg10[%add3A_29, %dma_wait3A] : memref<50048x32xf32, #tpu.memory_space<vmem_shared>> -> memref<391x32xf32, #tpu.memory_space<vmem_shared>>
        %dma_wait3A_34 = arith.constant 0 : i32
        %dma_wait3A_35 = tpu.memref_slice %arg10[%add3A_29, %dma_wait3A_34] : memref<50048x32xf32, #tpu.memory_space<vmem_shared>> -> memref<391x32xf32, #tpu.memory_space<vmem_shared>>
        tpu.wait_dma2 semaphore(%run_scoped3A : memref<!tpu.dma_semaphore, #tpu.memory_space<semaphore_mem>>) src(%arg9 : memref<391x32xf32, #tpu.memory_space<vmem>>) dst(%dma_wait3A_35 : memref<391x32xf32, #tpu.memory_space<vmem_shared>>)
        tpu.yield
      }) : () -> ()
    }
    %scan3A_12 = arith.constant 8 : i32
    %barrier3A = arith.constant 0 : index
    tpu.barrier barrier_id(%barrier3A)
    %mul3A_13 = arith.constant 50048 : i32
    %mul3A_14 = arith.muli %add3A, %mul3A_13 : i32
    %scan3A_15 = arith.constant 0 : i32
    %scan3A_16 = arith.constant 0 : i32
    %scan3A_17 = arith.constant 391 : i32
    %scan3A_18 = arith.addi %scan3A_16, %scan3A_17 : i32
    %scan3A_19 = arith.constant 1 : i32
    scf.for %scan3A_24 = %scan3A_16 to %scan3A_18 step %scan3A_19  : i32 {
      %mul3A_25 = arith.constant 128 : i32
      %mul3A_26 = arith.muli %scan3A_24, %mul3A_25 : i32
      %add3A_27 = arith.addi %mul3A_14, %mul3A_26 : i32
      "tpu.region"() ({
        %run_scoped3A = tpu.sem_alloc : memref<!tpu.dma_semaphore, #tpu.memory_space<semaphore_mem>>
        %dma_start3A_32 = tpu.memref_slice %arg2[%add3A_27] : memref<1601536xi32, #tpu.memory_space<hbm>> -> memref<128xi32, #tpu.memory_space<hbm>>
        %dma_start3A_33 = tpu.memref_slice %arg2[%add3A_27] : memref<1601536xi32, #tpu.memory_space<hbm>> -> memref<128xi32, #tpu.memory_space<hbm>>
        tpu.enqueue_dma source(%dma_start3A_33 : memref<128xi32, #tpu.memory_space<hbm>>) target(%arg6 : memref<128xi32, #tpu.memory_space<vmem>>) target_semaphore(%run_scoped3A : memref<!tpu.dma_semaphore, #tpu.memory_space<semaphore_mem>>)
        %dma_wait3A_34 = tpu.memref_slice %arg2[%add3A_27] : memref<1601536xi32, #tpu.memory_space<hbm>> -> memref<128xi32, #tpu.memory_space<hbm>>
        %dma_wait3A_35 = tpu.memref_slice %arg2[%add3A_27] : memref<1601536xi32, #tpu.memory_space<hbm>> -> memref<128xi32, #tpu.memory_space<hbm>>
        tpu.wait_dma2 semaphore(%run_scoped3A : memref<!tpu.dma_semaphore, #tpu.memory_space<semaphore_mem>>) src(%dma_wait3A_35 : memref<128xi32, #tpu.memory_space<hbm>>) dst(%arg6 : memref<128xi32, #tpu.memory_space<vmem>>)
        tpu.yield
      }) : () -> ()
      "tpu.region"() ({
        %run_scoped3A = tpu.sem_alloc : memref<!tpu.dma_semaphore, #tpu.memory_space<semaphore_mem>>
        %dma_start3A_32 = tpu.memref_slice %arg3[%add3A_27] : memref<1601536xi32, #tpu.memory_space<hbm>> -> memref<128xi32, #tpu.memory_space<hbm>>
        %dma_start3A_33 = tpu.memref_slice %arg3[%add3A_27] : memref<1601536xi32, #tpu.memory_space<hbm>> -> memref<128xi32, #tpu.memory_space<hbm>>
        tpu.enqueue_dma source(%dma_start3A_33 : memref<128xi32, #tpu.memory_space<hbm>>) target(%arg7 : memref<128xi32, #tpu.memory_space<vmem>>) target_semaphore(%run_scoped3A : memref<!tpu.dma_semaphore, #tpu.memory_space<semaphore_mem>>)
        %dma_wait3A_34 = tpu.memref_slice %arg3[%add3A_27] : memref<1601536xi32, #tpu.memory_space<hbm>> -> memref<128xi32, #tpu.memory_space<hbm>>
        %dma_wait3A_35 = tpu.memref_slice %arg3[%add3A_27] : memref<1601536xi32, #tpu.memory_space<hbm>> -> memref<128xi32, #tpu.memory_space<hbm>>
        tpu.wait_dma2 semaphore(%run_scoped3A : memref<!tpu.dma_semaphore, #tpu.memory_space<semaphore_mem>>) src(%dma_wait3A_35 : memref<128xi32, #tpu.memory_space<hbm>>) dst(%arg7 : memref<128xi32, #tpu.memory_space<vmem>>)
        tpu.yield
      }) : () -> ()
      %dma_start3A = arith.constant 0 : i32
      %dma_start3A_28 = arith.constant 0 : i32
      %dma_start3A_29 = tpu.memref_slice %arg4[%dma_start3A, %dma_start3A_28] : memref<50000x32xf32, #tpu.memory_space<hbm>> -> memref<50000x32xf32, #tpu.memory_space<hbm>>
      tpu.enqueue_indirect_dma source(%dma_start3A_29 : memref<50000x32xf32, #tpu.memory_space<hbm>>) target(%arg8 : memref<128x32xf32, #tpu.memory_space<vmem>>) offsets(%arg6 : memref<128xi32, #tpu.memory_space<vmem>>) semaphore(%arg11 : memref<!tpu.dma_semaphore, #tpu.memory_space<semaphore_mem>>)
      %dma_wait3A = arith.constant 0 : i32
      %dma_wait3A_30 = arith.constant 0 : i32
      %dma_wait3A_31 = tpu.memref_slice %arg4[%dma_wait3A, %dma_wait3A_30] : memref<50000x32xf32, #tpu.memory_space<hbm>> -> memref<50000x32xf32, #tpu.memory_space<hbm>>
      tpu.wait_indirect_dma semaphore(%arg11 : memref<!tpu.dma_semaphore, #tpu.memory_space<semaphore_mem>>) src(%dma_wait3A_31 : memref<50000x32xf32, #tpu.memory_space<hbm>>) dst(%arg8 : memref<128x32xf32, #tpu.memory_space<vmem>>)
      "tpu.region"() ({
        %run_scoped3A = tpu.sem_alloc : memref<!tpu.dma_semaphore, #tpu.memory_space<semaphore_mem>>
        %dma_start3A_32 = arith.constant 0 : i32
        %dma_start3A_33 = arith.constant 0 : i32
        %dma_start3A_34 = tpu.memref_slice %arg10[%dma_start3A_32, %dma_start3A_33] : memref<50048x32xf32, #tpu.memory_space<vmem_shared>> -> memref<50048x32xf32, #tpu.memory_space<vmem_shared>>
        tpu.enqueue_indirect_dma source(%arg8 : memref<128x32xf32, #tpu.memory_space<vmem>>) target(%dma_start3A_34 : memref<50048x32xf32, #tpu.memory_space<vmem_shared>>) offsets(%arg7 : memref<128xi32, #tpu.memory_space<vmem>>) semaphore(%run_scoped3A : memref<!tpu.dma_semaphore, #tpu.memory_space<semaphore_mem>>) {add = true}
        %dma_wait3A_35 = arith.constant 0 : i32
        %dma_wait3A_36 = arith.constant 0 : i32
        %dma_wait3A_37 = tpu.memref_slice %arg10[%dma_wait3A_35, %dma_wait3A_36] : memref<50048x32xf32, #tpu.memory_space<vmem_shared>> -> memref<50048x32xf32, #tpu.memory_space<vmem_shared>>
        tpu.wait_indirect_dma semaphore(%run_scoped3A : memref<!tpu.dma_semaphore, #tpu.memory_space<semaphore_mem>>) src(%arg8 : memref<128x32xf32, #tpu.memory_space<vmem>>) dst(%dma_wait3A_37 : memref<50048x32xf32, #tpu.memory_space<vmem_shared>>)
        tpu.yield
      }) : () -> ()
    }
    %scan3A_20 = arith.constant 391 : i32
    %barrier3A_21 = arith.constant 0 : index
    tpu.barrier barrier_id(%barrier3A_21)
    %mul3A_22 = arith.constant 3128 : i32
    %mul3A_23 = arith.muli %arg1, %mul3A_22 : i32
    "tpu.region"() ({
      %run_scoped3A = tpu.sem_alloc : memref<!tpu.dma_semaphore, #tpu.memory_space<semaphore_mem>>
      %dma_start3A = arith.constant 0 : i32
      %dma_start3A_24 = tpu.memref_slice %arg5[%arg0, %mul3A_23, %dma_start3A] : memref<2x50048x32xf32, #tpu.memory_space<hbm>> -> memref<1x3128x32xf32, #tpu.memory_space<hbm>>
      %dma_start3A_25 = tpu.memref_squeeze %dma_start3A_24 : memref<1x3128x32xf32, #tpu.memory_space<hbm>> -> memref<3128x32xf32, #tpu.memory_space<hbm>>
      %dma_start3A_26 = arith.constant 0 : i32
      %dma_start3A_27 = tpu.memref_slice %arg10[%mul3A_23, %dma_start3A_26] : memref<50048x32xf32, #tpu.memory_space<vmem_shared>> -> memref<3128x32xf32, #tpu.memory_space<vmem_shared>>
      tpu.enqueue_dma source(%dma_start3A_27 : memref<3128x32xf32, #tpu.memory_space<vmem_shared>>) target(%dma_start3A_25 : memref<3128x32xf32, #tpu.memory_space<hbm>>) target_semaphore(%run_scoped3A : memref<!tpu.dma_semaphore, #tpu.memory_space<semaphore_mem>>)
      %dma_wait3A = arith.constant 0 : i32
      %dma_wait3A_28 = tpu.memref_slice %arg5[%arg0, %mul3A_23, %dma_wait3A] : memref<2x50048x32xf32, #tpu.memory_space<hbm>> -> memref<1x3128x32xf32, #tpu.memory_space<hbm>>
      %dma_wait3A_29 = tpu.memref_squeeze %dma_wait3A_28 : memref<1x3128x32xf32, #tpu.memory_space<hbm>> -> memref<3128x32xf32, #tpu.memory_space<hbm>>
      %dma_wait3A_30 = arith.constant 0 : i32
      %dma_wait3A_31 = tpu.memref_slice %arg10[%mul3A_23, %dma_wait3A_30] : memref<50048x32xf32, #tpu.memory_space<vmem_shared>> -> memref<3128x32xf32, #tpu.memory_space<vmem_shared>>
      tpu.wait_dma2 semaphore(%run_scoped3A : memref<!tpu.dma_semaphore, #tpu.memory_space<semaphore_mem>>) src(%dma_wait3A_31 : memref<3128x32xf32, #tpu.memory_space<vmem_shared>>) dst(%dma_wait3A_29 : memref<3128x32xf32, #tpu.memory_space<hbm>>)
      tpu.yield
    }) : () -> ()
    return
  }
}

module attributes {stable_mosaic.version = 14 : i64} {
  func.func @_lin_body(%arg0: i32, %arg1: memref<2000x32xf32, #tpu.memory_space<vmem>>, %arg2: memref<32x32xf32, #tpu.memory_space<vmem>>, %arg3: memref<1x32xf32, #tpu.memory_space<vmem>>, %arg4: memref<2000x32xf32, #tpu.memory_space<vmem>>) attributes {dimension_semantics = [#tpu.dimension_semantics<arbitrary>], iteration_bounds = array<i64: 25>, scalar_prefetch = 0 : i64, scratch_operands = 0 : i64, tpu.core_type = #tpu.core_type<tc>, window_params = [{transform_indices = @transform_0, window_bounds = array<i64: 2000, 32>}, {pipeline_mode = #tpu.pipeline_mode<synchronous>, transform_indices = @transform_1, window_bounds = array<i64: 32, 32>}, {pipeline_mode = #tpu.pipeline_mode<synchronous>, transform_indices = @transform_2, window_bounds = array<i64: 1, 32>}, {transform_indices = @transform_3, window_bounds = array<i64: 2000, 32>}]} {
    %get3A = arith.constant 0 : index
    %get3A_0 = arith.constant 0 : index
    %get3A_1 = vector.load %arg1[%get3A, %get3A_0] : memref<2000x32xf32, #tpu.memory_space<vmem>>, vector<2000x32xf32>
    %get3A_2 = arith.constant 0 : index
    %get3A_3 = arith.constant 0 : index
    %get3A_4 = vector.load %arg2[%get3A_2, %get3A_3] : memref<32x32xf32, #tpu.memory_space<vmem>>, vector<32x32xf32>
    %dot_general3A = arith.constant dense<0.000000e+00> : vector<2000x32xf32>
    %dot_general3A_5 = tpu.matmul %get3A_1, %get3A_4, %dot_general3A {dimension_numbers = #tpu.dot_dimension_numbers<[1], [1], [0], [0], [0, 0, 1, 0], [], []>, transpose_lhs_hint = false} : vector<2000x32xf32>, vector<32x32xf32>, vector<2000x32xf32> -> vector<2000x32xf32>
    %get3A_6 = arith.constant 0 : index
    %get3A_7 = arith.constant 0 : index
    %get3A_8 = vector.load %arg3[%get3A_6, %get3A_7] : memref<1x32xf32, #tpu.memory_space<vmem>>, vector<1x32xf32>
    %add3A = vector.broadcast %get3A_8 : vector<1x32xf32> to vector<2000x32xf32>
    %add3A_9 = arith.addf %dot_general3A_5, %add3A : vector<2000x32xf32>
    %swap3A = arith.constant 0 : index
    %swap3A_10 = arith.constant 0 : index
    %swap3A_11 = vector.load %arg4[%swap3A, %swap3A_10] : memref<2000x32xf32, #tpu.memory_space<vmem>>, vector<2000x32xf32>
    tpu.vector_store %arg4[%swap3A, %swap3A_10], %add3A_9 {strides = array<i32>} : memref<2000x32xf32, #tpu.memory_space<vmem>>, vector<2000x32xf32>,
    return
  }
  func.func @transform_0(%arg0: i32) -> (i32, i32) {
    %c0_i32 = arith.constant 0 : i32
    %c0_i32_0 = arith.constant 0 : i32
    return %arg0, %c0_i32 : i32, i32
  }
  func.func @transform_1(%arg0: i32) -> (i32, i32) {
    %c0_i32 = arith.constant 0 : i32
    %c0_i32_0 = arith.constant 0 : i32
    %c0_i32_1 = arith.constant 0 : i32
    return %c0_i32, %c0_i32_0 : i32, i32
  }
  func.func @transform_2(%arg0: i32) -> (i32, i32) {
    %c0_i32 = arith.constant 0 : i32
    %c0_i32_0 = arith.constant 0 : i32
    %c0_i32_1 = arith.constant 0 : i32
    return %c0_i32, %c0_i32_0 : i32, i32
  }
  func.func @transform_3(%arg0: i32) -> (i32, i32) {
    %c0_i32 = arith.constant 0 : i32
    %c0_i32_0 = arith.constant 0 : i32
    return %arg0, %c0_i32 : i32, i32
  }
}

module attributes {stable_mosaic.version = 14 : i64} {
  func.func @_fuse_body(%arg0: i32, %arg1: memref<2x2000x32xf32, #tpu.memory_space<vmem>>, %arg2: memref<2000x32xf32, #tpu.memory_space<vmem>>, %arg3: memref<32x32xf32, #tpu.memory_space<vmem>>, %arg4: memref<1x32xf32, #tpu.memory_space<vmem>>, %arg5: memref<2000x32xf32, #tpu.memory_space<vmem>>) attributes {dimension_semantics = [#tpu.dimension_semantics<arbitrary>], iteration_bounds = array<i64: 25>, scalar_prefetch = 0 : i64, scratch_operands = 0 : i64, tpu.core_type = #tpu.core_type<tc>, window_params = [{transform_indices = @transform_0, window_bounds = array<i64: 2, 2000, 32>}, {transform_indices = @transform_1, window_bounds = array<i64: 2000, 32>}, {pipeline_mode = #tpu.pipeline_mode<synchronous>, transform_indices = @transform_2, window_bounds = array<i64: 32, 32>}, {pipeline_mode = #tpu.pipeline_mode<synchronous>, transform_indices = @transform_3, window_bounds = array<i64: 1, 32>}, {transform_indices = @transform_4, window_bounds = array<i64: 2000, 32>}]} {
    %get3A = arith.constant 0 : index
    %get3A_0 = arith.constant 0 : index
    %get3A_1 = arith.constant 0 : index
    %get3A_2 = vector.load %arg1[%get3A, %get3A_0, %get3A_1] : memref<2x2000x32xf32, #tpu.memory_space<vmem>>, vector<1x2000x32xf32>
    %get3A_3 = vector.shape_cast %get3A_2 : vector<1x2000x32xf32> to vector<2000x32xf32>
    %get3A_4 = arith.constant 1 : index
    %get3A_5 = arith.constant 0 : index
    %get3A_6 = arith.constant 0 : index
    %get3A_7 = vector.load %arg1[%get3A_4, %get3A_5, %get3A_6] : memref<2x2000x32xf32, #tpu.memory_space<vmem>>, vector<1x2000x32xf32>
    %get3A_8 = vector.shape_cast %get3A_7 : vector<1x2000x32xf32> to vector<2000x32xf32>
    %add3A = arith.addf %get3A_3, %get3A_8 : vector<2000x32xf32>
    %get3A_9 = arith.constant 0 : index
    %get3A_10 = arith.constant 0 : index
    %get3A_11 = vector.load %arg2[%get3A_9, %get3A_10] : memref<2000x32xf32, #tpu.memory_space<vmem>>, vector<2000x32xf32>
    %add3A_12 = arith.addf %add3A, %get3A_11 : vector<2000x32xf32>
    %max3A = arith.constant 0.000000e+00 : f32
    %max3A_13 = vector.broadcast %max3A : f32 to vector<2000x32xf32>
    %max3A_14 = arith.maximumf %add3A_12, %max3A_13 : vector<2000x32xf32>
    %get3A_15 = arith.constant 0 : index
    %get3A_16 = arith.constant 0 : index
    %get3A_17 = vector.load %arg3[%get3A_15, %get3A_16] : memref<32x32xf32, #tpu.memory_space<vmem>>, vector<32x32xf32>
    %dot_general3A = arith.constant dense<0.000000e+00> : vector<2000x32xf32>
    %dot_general3A_18 = tpu.matmul %max3A_14, %get3A_17, %dot_general3A {dimension_numbers = #tpu.dot_dimension_numbers<[1], [1], [0], [0], [0, 0, 1, 0], [], []>, transpose_lhs_hint = false} : vector<2000x32xf32>, vector<32x32xf32>, vector<2000x32xf32> -> vector<2000x32xf32>
    %get3A_19 = arith.constant 0 : index
    %get3A_20 = arith.constant 0 : index
    %get3A_21 = vector.load %arg4[%get3A_19, %get3A_20] : memref<1x32xf32, #tpu.memory_space<vmem>>, vector<1x32xf32>
    %add3A_22 = vector.broadcast %get3A_21 : vector<1x32xf32> to vector<2000x32xf32>
    %add3A_23 = arith.addf %dot_general3A_18, %add3A_22 : vector<2000x32xf32>
    %swap3A = arith.constant 0 : index
    %swap3A_24 = arith.constant 0 : index
    %swap3A_25 = vector.load %arg5[%swap3A, %swap3A_24] : memref<2000x32xf32, #tpu.memory_space<vmem>>, vector<2000x32xf32>
    tpu.vector_store %arg5[%swap3A, %swap3A_24], %add3A_23 {strides = array<i32>} : memref<2000x32xf32, #tpu.memory_space<vmem>>, vector<2000x32xf32>,
    return
  }
  func.func @transform_0(%arg0: i32) -> (i32, i32, i32) {
    %c0_i32 = arith.constant 0 : i32
    %c0_i32_0 = arith.constant 0 : i32
    %c0_i32_1 = arith.constant 0 : i32
    return %c0_i32, %arg0, %c0_i32_0 : i32, i32, i32
  }
  func.func @transform_1(%arg0: i32) -> (i32, i32) {
    %c0_i32 = arith.constant 0 : i32
    %c0_i32_0 = arith.constant 0 : i32
    return %arg0, %c0_i32 : i32, i32
  }
  func.func @transform_2(%arg0: i32) -> (i32, i32) {
    %c0_i32 = arith.constant 0 : i32
    %c0_i32_0 = arith.constant 0 : i32
    %c0_i32_1 = arith.constant 0 : i32
    return %c0_i32, %c0_i32_0 : i32, i32
  }
  func.func @transform_3(%arg0: i32) -> (i32, i32) {
    %c0_i32 = arith.constant 0 : i32
    %c0_i32_0 = arith.constant 0 : i32
    %c0_i32_1 = arith.constant 0 : i32
    return %c0_i32, %c0_i32_0 : i32, i32
  }
  func.func @transform_4(%arg0: i32) -> (i32, i32) {
    %c0_i32 = arith.constant 0 : i32
    %c0_i32_0 = arith.constant 0 : i32
    return %arg0, %c0_i32 : i32, i32
  }
}

module attributes {stable_mosaic.version = 14 : i64} {
  func.func @_final_body(%arg0: i32, %arg1: memref<2x2000x32xf32, #tpu.memory_space<vmem>>, %arg2: memref<2000x32xf32, #tpu.memory_space<vmem>>, %arg3: memref<2000x32xf32, #tpu.memory_space<vmem>>) attributes {dimension_semantics = [#tpu.dimension_semantics<arbitrary>], iteration_bounds = array<i64: 25>, scalar_prefetch = 0 : i64, scratch_operands = 0 : i64, tpu.core_type = #tpu.core_type<tc>, window_params = [{transform_indices = @transform_0, window_bounds = array<i64: 2, 2000, 32>}, {transform_indices = @transform_1, window_bounds = array<i64: 2000, 32>}, {transform_indices = @transform_2, window_bounds = array<i64: 2000, 32>}]} {
    %get3A = arith.constant 0 : index
    %get3A_0 = arith.constant 0 : index
    %get3A_1 = arith.constant 0 : index
    %get3A_2 = vector.load %arg1[%get3A, %get3A_0, %get3A_1] : memref<2x2000x32xf32, #tpu.memory_space<vmem>>, vector<1x2000x32xf32>
    %get3A_3 = vector.shape_cast %get3A_2 : vector<1x2000x32xf32> to vector<2000x32xf32>
    %get3A_4 = arith.constant 1 : index
    %get3A_5 = arith.constant 0 : index
    %get3A_6 = arith.constant 0 : index
    %get3A_7 = vector.load %arg1[%get3A_4, %get3A_5, %get3A_6] : memref<2x2000x32xf32, #tpu.memory_space<vmem>>, vector<1x2000x32xf32>
    %get3A_8 = vector.shape_cast %get3A_7 : vector<1x2000x32xf32> to vector<2000x32xf32>
    %add3A = arith.addf %get3A_3, %get3A_8 : vector<2000x32xf32>
    %get3A_9 = arith.constant 0 : index
    %get3A_10 = arith.constant 0 : index
    %get3A_11 = vector.load %arg2[%get3A_9, %get3A_10] : memref<2000x32xf32, #tpu.memory_space<vmem>>, vector<2000x32xf32>
    %add3A_12 = arith.addf %add3A, %get3A_11 : vector<2000x32xf32>
    %max3A = arith.constant 0.000000e+00 : f32
    %max3A_13 = vector.broadcast %max3A : f32 to vector<2000x32xf32>
    %max3A_14 = arith.maximumf %add3A_12, %max3A_13 : vector<2000x32xf32>
    %swap3A = arith.constant 0 : index
    %swap3A_15 = arith.constant 0 : index
    %swap3A_16 = vector.load %arg3[%swap3A, %swap3A_15] : memref<2000x32xf32, #tpu.memory_space<vmem>>, vector<2000x32xf32>
    tpu.vector_store %arg3[%swap3A, %swap3A_15], %max3A_14 {strides = array<i32>} : memref<2000x32xf32, #tpu.memory_space<vmem>>, vector<2000x32xf32>,
    return
  }
  func.func @transform_0(%arg0: i32) -> (i32, i32, i32) {
    %c0_i32 = arith.constant 0 : i32
    %c0_i32_0 = arith.constant 0 : i32
    %c0_i32_1 = arith.constant 0 : i32
    return %c0_i32, %arg0, %c0_i32_0 : i32, i32, i32
  }
  func.func @transform_1(%arg0: i32) -> (i32, i32) {
    %c0_i32 = arith.constant 0 : i32
    %c0_i32_0 = arith.constant 0 : i32
    return %arg0, %c0_i32 : i32, i32
  }
  func.func @transform_2(%arg0: i32) -> (i32, i32) {
    %c0_i32 = arith.constant 0 : i32
    %c0_i32_0 = arith.constant 0 : i32
    return %arg0, %c0_i32 : i32, i32
  }
}

</mosaic_0001>

<sc_bundles>
// kernel: kernel.12.cloned.1.call-start
scs
__scs_entry_jumppad:
0x0: {  	(pc) =	sbr.rel $0x88, $3  }
0x1: {  	(tag) =	ssettag $0x0;
	lr =	simm.s32 $0x1  }
0x2: {  	[smem:$0x3F98] =	sst lr;
	_ =	strace $0xD0000000  }
0x3: {  	_ = 	snop  }
0x4: {  	_ = 	snop  }
0x5: {  	_ = 	snop  }
0x6: {  	_ = 	snop  }
0x7: {  	_ = 	snop  }
__scs_overlays_trampoline_lowered:
0x8: {  	[smem:$0x3FA7] =	sst s0  }
0x9: {  	[smem:$0x3FA8] =	sst s1  }
0xa: {  	[smem:$0x3FA9] =	sst s2  }
0xb: {  	[smem:$0x3FAA] =	sst s3  }
0xc: {  	[smem:$0x3FAB] =	sst s4  }
0xd: {  	[smem:$0x3FAC] =	sst s5  }
0xe: {  	[smem:$0x3FAD] =	sst s6  }
0xf: {  	[smem:$0x3FAE] =	sst s7  }
0x10: {  	[smem:$0x3FAF] =	sst s8  }
0x11: {  	[smem:$0x3FB0] =	sst s9;
	s0 =	simm.s32 @!p0 $0x0  }
0x12: {  	s1 =	sld [smem:$0x3F96];
	s0 =	simm.s32 @p0 $0x1  }
0x13: {  	[smem:$0x3FB1] =	sst s0;
	s0 =	simm.s32 @!p1 $0x0  }
0x14: {  	s2 =	sld [smem:$0x3F95];
	s0 =	simm.s32 @p1 $0x1  }
0x15: {  	[smem:$0x3FB2] =	sst s0;
	s0 =	simm.s32 @!p2 $0x0  }
0x16: {  	s3 =	sld [smem:$0x3FDB];
	s0 =	simm.s32 @p2 $0x1  }
0x17: {  	s4 =	simm.s32 $0x1BF5;
	[smem:$0x3FB4] =	sst s0  }
0x18: {  	s0 =	sld [smem:$0x3F97];
	_ =	swait.ge [sflag:s4], $0x0  }
0x19: {  	s7 =	sld [smem:$0x3F98]  }
0x1a: {  	s8 =	sadd.s32 $0xFFFFE003, lr  }
0x1b: {  	s9 =	sadd.s32 $0xFFFFFEF7, lr;
	s5 =	simm.s32 $0xFFFFFFFF;
	p2 =	slt.u32 s8, $0xFFFFF086  }
0x1c: {  	p1 =	slt.u32 s9, $0xF7A;
	s5 =	simm.s32 @!p2 $0x0  }
0x1d: {  	s5 =	simm.s32 @p1 $0x1;
	p0 =	seq.s32 s7, s2  }
0x1e: {  	s7 =	smul.u32 @!p0 $0xF7A, s2;
	p2 =	seq.s32 @!p0 s5, $0x0  }
0x1f: {  	s9 =	smul.u32 $0xF7A, s1;
	s8 =	simm.s32 @!p0 $0x1BF5;
	p2 =	por !p2, p0  }
0x20: {  	[sflag:s8] =	ssyncset.s32 @!p0 $0xFFFFF086;
	s6 =	sadd.s32 @!p0 s3, s7;
	s7 =	simm.s32 @!p0 $0x108  }
0x21: {  	s3 =	sadd.s32 s3, s9;
	s6 =	sadd.s32 @!p0 $0x88, s6;
	s7 =	simm.s32 @p2 $0x1082  }
0x22: {  	[simem:s7], [sflag:s8] =	dma.local @!p0 [hbm:s6], $0xF7A  }
0x23: {  	s9 =	sor.u32 $0xD0000000, s2;
	s6 =	simm.s32 $0x108;
	_ =	swait.ge @!p0 [sflag:s8], $0x0  }
0x24: {  	s3 =	sadd.s32 $0x88, s3;
	s6 =	simm.s32 @!p1 $0x1082;
	[sflag:s4] =	ssyncset.s32 $0xFFFFF086  }
0x25: {  	[simem:s6], [sflag:s4] =	dma.local [hbm:s3], $0xF7A  }
0x26: {  	[smem:$0x3F98] =	sst s1;
	(tag) =	ssettag s2;
	_ =	strace s9  }
0x27: {  	s1 =	sld [smem:$0x3FA8]  }
0x28: {  	s2 =	sld [smem:$0x3FA9]  }
0x29: {  	s4 =	sld [smem:$0x3FAB]  }
0x2a: {  	p0 =	seq.s32 s5, $0x0;
	s5 =	sld [smem:$0x3FAC]  }
0x2b: {  	s6 =	sld [smem:$0x3FAD]  }
0x2c: {  	s7 =	sld [smem:$0x3FAE]  }
0x2d: {  	s3 =	simm.s32 $0x108;
	s8 =	sld [smem:$0x3FAF]  }
0x2e: {  	s3 =	simm.s32 @!p0 $0x1082;
	s9 =	sld [smem:$0x3FB0]  }
0x2f: {  	lr =	sadd.s32 s0, s3;
	s0 =	sld [smem:$0x3FA7]  }
0x30: {  	s3 =	sld [smem:$0x3FAA]  }
0x31: {  	[smem:$0x3FB3] =	sst s10  }
0x32: {  	s10 =	sld [smem:$0x3FB1];
	_ =	sdelay $0x3  }
0x33: {  	p0 =	seq.s32 s10, $0x1;
	s10 =	sld [smem:$0x3FB3];
	_ =	sdelay $0x3  }
0x34: {  	[smem:$0x3FB3] =	sst s10  }
0x35: {  	s10 =	sld [smem:$0x3FB2];
	_ =	sdelay $0x3  }
0x36: {  	p1 =	seq.s32 s10, $0x1;
	s10 =	sld [smem:$0x3FB3];
	_ =	sdelay $0x3  }
0x37: {  	[smem:$0x3FB3] =	sst s10  }
0x38: {  	s10 =	sld [smem:$0x3FB4]  }
0x39: {  	_ = 	snop;
	(pc) =	sbr.ind lr, $3  }
0x3a: {  	_ = 	snop  }
0x3b: {  	_ = 	snop  }
0x3c: {  	p2 =	seq.s32 s10, $0x1;
	s10 =	sld [smem:$0x3FB3]  }
0x3d: {  	_ =	shalt  }
0x3e: {  	_ =	shalt  }
0x3f: {  	_ =	shalt  }
0x40: {  	_ =	shalt  }
0x41: {  	_ =	shalt  }
0x42: {  	_ =	shalt  }
0x43: {  	_ =	shalt  }
0x44: {  	_ =	shalt  }
0x45: {  	_ =	shalt  }
0x46: {  	_ =	shalt  }
0x47: {  	_ =	shalt  }
0x48: {  	_ =	shalt  }
0x49: {  	_ =	shalt  }
0x4a: {  	_ =	shalt  }
0x4b: {  	_ =	shalt  }
0x4c: {  	_ =	shalt  }
0x4d: {  	_ =	shalt  }
0x4e: {  	_ =	shalt  }
0x4f: {  	_ =	shalt  }
0x50: {  	_ =	shalt  }
0x51: {  	_ =	shalt  }
0x52: {  	_ =	shalt  }
0x53: {  	_ =	shalt  }
0x54: {  	_ =	shalt  }
0x55: {  	_ =	shalt  }
0x56: {  	_ =	shalt  }
0x57: {  	_ =	shalt  }
0x58: {  	_ =	shalt  }
0x59: {  	_ =	shalt  }
0x5a: {  	_ =	shalt  }
0x5b: {  	_ =	shalt  }
0x5c: {  	_ =	shalt  }
0x5d: {  	_ =	shalt  }
0x5e: {  	_ =	shalt  }
0x5f: {  	_ =	shalt  }
0x60: {  	_ =	shalt  }
0x61: {  	_ =	shalt  }
0x62: {  	_ =	shalt  }
0x63: {  	_ =	shalt  }
0x64: {  	_ =	shalt  }
0x65: {  	_ =	shalt  }
0x66: {  	_ =	shalt  }
0x67: {  	_ =	shalt  }
0x68: {  	_ =	shalt  }
0x69: {  	_ =	shalt  }
0x6a: {  	_ =	shalt  }
0x6b: {  	_ =	shalt  }
0x6c: {  	_ =	shalt  }
0x6d: {  	_ =	shalt  }
0x6e: {  	_ =	shalt  }
0x6f: {  	_ =	shalt  }
0x70: {  	_ =	shalt  }
0x71: {  	_ =	shalt  }
0x72: {  	_ =	shalt  }
0x73: {  	_ =	shalt  }
0x74: {  	_ =	shalt  }
0x75: {  	_ =	shalt  }
0x76: {  	_ =	shalt  }
0x77: {  	_ =	shalt  }
0x78: {  	_ =	shalt  }
0x79: {  	_ =	shalt  }
0x7a: {  	_ =	shalt  }
0x7b: {  	_ =	shalt  }
0x7c: {  	_ =	shalt  }
0x7d: {  	_ =	shalt  }
0x7e: {  	_ =	shalt  }
0x7f: {  	_ =	shalt  }
0x80: {  	_ =	shalt  }
0x81: {  	_ =	shalt  }
0x82: {  	_ =	shalt  }
0x83: {  	_ =	shalt  }
0x84: {  	_ =	shalt  }
0x85: {  	_ =	shalt  }
0x86: {  	_ =	shalt  }
0x87: {  	_ =	shalt  }
.Lfunc_end0:
.L_simem_size_0:
called_computation.1_lowered:
.L_overlay_start_0:
0x88: {  	s2 =	sld [smem:$0x3FD9]  }
0x89: {  	s3 =	sld [smem:$0x3FFE];
	_ =	sdelay $0x1  }
0x8a: {  	s1 =	srdreg.scid  }
0x8b: {  	s0 =	sand.u32 $0x1, s1  }
0x8c: {  	s16 =	sshll.u32 s0, $0xA;
	s2 =	sadd.s32 s3, s2  }
0x8d: {  	s2 =	sadd.s32 s2, s16  }
0x8e: {  	[smem:$0x3FBF] =	sst s2  }
0x8f: {  	_ = 	snop  }
0x90: {  	(tm) =	ssettm $0x1  }
0x91: {  	s17 =	sld [smem:$0x3FFB];
	_ =	sdelay $0x3  }
0x92: {  	_ =	strace s17  }
0x93: {  	s2 =	sld [smem:$0x3FFC];
	_ =	sdelay $0x3  }
0x94: {  	_ =	strace s2  }
0x95: {  	s2 =	sld [smem:$0x3FFD];
	_ =	sdelay $0x3  }
0x96: {  	_ =	strace s2  }
0x97: {  	_ =	strace $0x8FFFFFFF  }
0x98: {  	s18 =	sld [smem:$0x3FDB];
	_ =	sdelay $0x1  }
0x99: {  	s19 =	simm.s32 $_scs_section_size  }
0x9a: {  	s4 =	simm.s32 $_size__tile_overlayer_lowered;
	s5 =	simm.s32 $_tile_overlayer_lowered  }
0x9b: {  	s22 =	simm.s32 $0x1BFF;
	s21 =	sshll.u32 s5, $0x1;
	s2 =	sadd.s32 s19, s18  }
0x9c: {  	s6 =	simm.s32 $0x0;
	s20 =	sshll.u32 s4, $0x1;
	s4 =	sadd.s32 s21, s2  }
0x9d: {  	[timem:s6], [sflag:s22] =	dma.local [hbm:s4], s20  }
0x9e: {  	_ =	swait.ge [sflag:s22], s20  }
0x9f: {  	s3 =	ssub.s32 $0x0, s20;
	[sflag:s22] =	ssyncset.done $0x0  }
0xa0: {  	[sflag:s22] =	ssyncadd.s32 s3;
	_ =	sdelay $0x1  }
0xa1: {  	s23 =	simm.s32 $0x1B8B  }
0xa2: {  	_ =	swait.ge [sflag:s23], $0x1  }
0xa3: {  	[sflag:s23] =	ssyncset.done $0x0  }
0xa4: {  	s25 =	simm.s32 $0x1B8E;
	s24 =	sld [smem:$0x3FFE];
	[sflag:s23] =	ssyncadd.s32 $0xFFFFFFFF  }
0xa5: {  	s26 =	simm.s32 $execute0_lowered;
	[smem:$0x3FD2] =	sst s25  }
0xa6: {  	s4 =	sshll.u32 s26, $0x1;
	_ =	strace $0x80000049;
	[dreg:$0x1] =	wrdreg $0xFFFFFFFF  }
0xa7: {  	s28 =	simm.s32 $_size_execute0_lowered;
	s2 =	sadd.s32 s2, s4;
	[dreg:$0x0] =	wrdreg $0x0  }
0xa8: {  	s4 =	sshll.u32 s28, $0x1;
	[dreg:$0x2] =	wrdreg s2  }
0xa9: {  	[dreg:$0x3] =	wrdreg s4  }
0xaa: {  	[dreg:$0x4] =	wrdreg $0xC0  }
0xab: {  	_ =	task [dreg:s6], $0x5FFFF  }
0xac: {  	[dreg:$0x1] =	wrdreg $0xFFFFFFFF  }
0xad: {  	[dreg:$0x0] =	wrdreg $0x60  }
0xae: {  	[dreg:$0x2] =	wrdreg s24  }
0xaf: {  	[dreg:$0x3] =	wrdreg $0x41E00  }
0xb0: {  	[dreg:$0x4] =	wrdreg $0x9  }
0xb1: {  	_ =	task.clear_ibuf [dreg:s6], $0x5FFFF;
	_ =	strace $0x90000049  }
0xb2: {  	s29 =	simm.s32 $0x9;
	_ =	strace $0x8000004B  }
0xb3: {  	_ =	swait.ge [sflag:s29], $0x1  }
0xb4: {  	[sflag:s29] =	ssyncadd.s32 $0xFFFFFFFF  }
0xb5: {  	_ =	strace $0x9000004B  }
0xb6: {  	_ =	sfence  }
0xb7: {  	s30 =	sld [smem:$0x0];
	_ =	sdelay $0x2  }
0xb8: {  	s31 =	sshll.u32 s1, $0xD;
	s1 =	sshrl.u32 s1, $0x2  }
0xb9: {  	s3 =	sand.u32 $0x4000, s31;
	s1 =	sadd.s32 s1, s30  }
0xba: {  	s0 =	sor.u32 s3, s0;
	s1 =	sshll.u32 s1, $0x11  }
0xbb: {  	s0 =	sor.u32 s1, s0  }
0xbc: {  	s0 =	sadd.s32 $0x8F2B, s0  }
0xbd: {  	[sflag:s0] =	ssyncadd.remote.s32 $0x1  }
0xbe: {  	_ =	sfence.sel $0xFFFF  }
0xbf: {  	[dreg:$0x0] =	wrdreg $0xFFFFFFFF;
	(pc) =	sbr.abs _section_cstart, $3  }
0xc0: {  	[dreg:$0x1] =	wrdreg $0xFFFFFFFF  }
0xc1: {  	_ =	task.clear_ibuf [dreg:s6], $0x2FFFF;
	_ =	strace $0x9FFFFFFF  }
0xc2: {  	(tm) =	ssettm $0x7FFFFFFF  }
0xc3: {  	_ =	shalt  }
tec
execute0_lowered:
.L_overlay_start_1:
0x0: {  	(tag) =	ssettag $0x1  }
0x1: {  	s1 =	srdreg.scid;
	s5 =	rddreg [dreg:$0x0]  }
0x2: {  	s0 =	stileid.u32;
	s2 =	rddreg [dreg:$0x1];
	s3 =	simm.s32 $0x0  }
0x3: {  	s17 =	simm.s32 $0x1100;
	s18 =	simm.s32 $0x2;
	s19 =	simm.s32 $0x80  }
0x4: {  	s20 =	simm.s32 $0x100;
	s21 =	simm.s32 $0x1;
	s7 =	smul.u32 $0x18700, s0  }
0x5: {  	s6 =	sand.u32 $0x1, s1;
	s1 =	rddreg [dreg:$0x2];
	s9 =	smul.u32 $0x61C00, s0  }
0x6: {  	s23 =	simm.s32 $0x0;
	[smem:$0x7FF] =	sst s3;
	s4 =	smul.u32 $0xC380, s6  }
0x7: {  	s8 =	smul.u32 $0x187000, s6;
	_ =	strace $0x8000004A;
	s6 =	ssub.s32 $0x2, s6  }
0x8: {  	s31 =	sshrl.u32 s6, $0x1;
	s9 =	sshrl.u32 s9, $0x2;
	s4 =	sadd.s32 s4, s7  }
0x9: {  	s22 =	sadd.s32 s7, s2;
	s8 =	sadd.s32 s7, s8;
	s4 =	sshrl.u32 s4, $0x3  }
0xa: {  	s22 =	sshrl.u32 s22, $0x3;
	s8 =	sshrl.u32 s8, $0x3;
	s16 =	sadd.s32 s4, s5  }
0xb: {  	s4 =	sadd.s32 $0x1600, s5;
	s5 =	sadd.s32 s8, s5;
	s8 =	ssub.s32 s6, s31  }
0xc: {  	s6 =	sadd.s32 s9, s2;
	s5 =	sadd.s32 $0x94000, s5;
	s7 =	smax.u32 s8, $0x1  }
0xd: {  	s8 =	sadd.s32 $0x30E0, s6;
	s9 =	sadd.s32 $0x61C0, s6;
	s10 =	sadd.s32 $0x92A0, s6  }
0xe: {  	s11 =	sadd.s32 $0xC380, s6;
	s12 =	sadd.s32 $0xF460, s6;
	s13 =	sadd.s32 $0x12540, s6  }
0xf: {  	v0 =	vimm.f32 $0.0e+00;
	s14 =	sadd.s32 $0x15620, s6;
	s15 =	sadd.s32 $0x32400, s16;
	s16 =	sadd.s32 $0x63200, s16  }
.LBB2_1:
0x10: {  	s24 =	simm.s32 $0x80;
	s25 =	simm.s32 $0x0  }
.LBB2_2:
0x11: {  	p0 =	sne.s32 s24, $0xC300;
	[tilespmem:s25+$0x1100] =	vst v0;
	s26 =	smov.u32 s24;
	s24 =	sadd.s32 $0x80, s24  }
.Ltmp0:
0x12: {  	[tilespmem:s25+$0x1110] =	vst v0;
	(pc) =	sbr.rel @p0 .LBB2_2-.Ltmp0, $2  }
0x13: {  	_ =	sdelay $0x2  }
0x14: {  	s25 =	sshra.s32 s26, $0x2  }
0x15: {  	[tilespmem:s25+$0x1100] =	vst v0  }
0x16: {  	[tilespmem:s25+$0x1110] =	vst v0  }
0x17: {  	[spmem:s6] =	stream.linear.scatter [tilespmem:s17], [sflag:$0x2], $0x30E0, $0x38;
	[tilespmem:$0x1C8E0] =	vst v63  }
0x18: {  	_ =	swait.ge [sflag:s18], $0x30E0  }
0x19: {  	[sflag:s18] =	ssyncset.done $0x0  }
0x1a: {  	[sflag:s18] =	ssyncadd.s32 $0xFFFFCF20  }
0x1b: {  	[spmem:s8] =	stream.linear.scatter [tilespmem:s17], [sflag:$0x2], $0x30E0, $0x38;
	[tilespmem:$0x1C8E0] =	vst v63  }
0x1c: {  	_ =	swait.ge [sflag:s18], $0x30E0  }
0x1d: {  	[sflag:s18] =	ssyncset.done $0x0  }
0x1e: {  	[sflag:s18] =	ssyncadd.s32 $0xFFFFCF20  }
0x1f: {  	[spmem:s9] =	stream.linear.scatter [tilespmem:s17], [sflag:$0x2], $0x30E0, $0x38;
	[tilespmem:$0x1C8E0] =	vst v63  }
0x20: {  	_ =	swait.ge [sflag:s18], $0x30E0  }
0x21: {  	[sflag:s18] =	ssyncset.done $0x0  }
0x22: {  	[sflag:s18] =	ssyncadd.s32 $0xFFFFCF20  }
0x23: {  	[spmem:s10] =	stream.linear.scatter [tilespmem:s17], [sflag:$0x2], $0x30E0, $0x38;
	[tilespmem:$0x1C8E0] =	vst v63  }
0x24: {  	_ =	swait.ge [sflag:s18], $0x30E0  }
0x25: {  	[sflag:s18] =	ssyncset.done $0x0  }
0x26: {  	[sflag:s18] =	ssyncadd.s32 $0xFFFFCF20  }
0x27: {  	[spmem:s11] =	stream.linear.scatter [tilespmem:s17], [sflag:$0x2], $0x30E0, $0x38;
	[tilespmem:$0x1C8E0] =	vst v63  }
0x28: {  	_ =	swait.ge [sflag:s18], $0x30E0  }
0x29: {  	[sflag:s18] =	ssyncset.done $0x0  }
0x2a: {  	[sflag:s18] =	ssyncadd.s32 $0xFFFFCF20  }
0x2b: {  	[spmem:s12] =	stream.linear.scatter [tilespmem:s17], [sflag:$0x2], $0x30E0, $0x38;
	[tilespmem:$0x1C8E0] =	vst v63  }
0x2c: {  	_ =	swait.ge [sflag:s18], $0x30E0  }
0x2d: {  	[sflag:s18] =	ssyncset.done $0x0  }
0x2e: {  	[sflag:s18] =	ssyncadd.s32 $0xFFFFCF20  }
0x2f: {  	[spmem:s13] =	stream.linear.scatter [tilespmem:s17], [sflag:$0x2], $0x30E0, $0x38;
	[tilespmem:$0x1C8E0] =	vst v63  }
0x30: {  	_ =	swait.ge [sflag:s18], $0x30E0  }
0x31: {  	[sflag:s18] =	ssyncset.done $0x0  }
0x32: {  	[sflag:s18] =	ssyncadd.s32 $0xFFFFCF20  }
0x33: {  	[spmem:s14] =	stream.linear.scatter [tilespmem:s17], [sflag:$0x2], $0x30E0, $0x38;
	[tilespmem:$0x1C8E0] =	vst v63  }
0x34: {  	_ =	swait.ge [sflag:s18], $0x30E0  }
0x35: {  	[sflag:s18] =	ssyncset.done $0x0  }
0x36: {  	[sflag:s18] =	ssyncadd.s32 $0xFFFFCF20  }
0x37: {  	s24 =	sadd.s32 $0x0, s16;
	[bflag:$0x0] =	sbarrier.arrive $0xFFFF  }
0x38: {  	[tilespmem:s3], [sflag:$0x2] =	stream.linear.gather [hbm4b:s24+s3], $0x80, $0x38;
	[tilespmem:$0x1C8E0] =	vst v63  }
0x39: {  	_ =	swait.ge [sflag:s18], $0x80  }
0x3a: {  	[sflag:s18] =	ssyncset.done $0x0  }
0x3b: {  	s31 =	sadd.s32 $0x0, s15;
	[sflag:s18] =	ssyncadd.s32 $0xFFFFFF80  }
0x3c: {  	[tilespmem:s19], [sflag:$0x2] =	stream.linear.gather [hbm4b:s31+s3], $0x80, $0x38;
	[tilespmem:$0x1C8E0] =	vst v63  }
0x3d: {  	_ =	swait.ge [sflag:s18], $0x80  }
0x3e: {  	[sflag:s18] =	ssyncset.done $0x0  }
0x3f: {  	[sflag:s18] =	ssyncadd.s32 $0xFFFFFF80  }
0x40: {  	[tilespmem:s20], [sflag:$0x1] =	stream.indirect.gather [hbm4b:s4+s19], $0x20, s3, s19, $0xb8;
	[tilespmem:$0x1C8E0] =	vst v63  }
0x41: {  	_ =	swait.ge [sflag:s21], $0x1000  }
0x42: {  	[sflag:s21] =	ssyncset.done $0x0  }
0x43: {  	[sflag:s21] =	ssyncadd.s32 $0xFFFFF000  }
0x44: {  	[spmem:s2] =	stream.indirect.scatter.add.f32 [tilespmem:s20], [sflag:$0x2], $0x20, s19, s19, $0xb8;
	[tilespmem:$0x1C8E0] =	vst v63  }
0x45: {  	_ =	swait.ge [sflag:s18], $0x1000  }
0x46: {  	s25 =	simm.s32 $0x20;
	s24 =	simm.s32 $0x10;
	[sflag:s18] =	ssyncset.done $0x0  }
.LBB2_4:
0x47: {  	s26 =	sadd.s32 s24, s16  }
0x48: {  	[sflag:s18] =	ssyncadd.s32 $0xFFFFF000;
	s28 =	smov.u32 s25;
	s29 =	sadd.s32 $0x10, s25  }
0x49: {  	[tilespmem:s3], [sflag:$0x2] =	stream.linear.gather [hbm4b:s26+s3], $0x80, $0x38;
	[tilespmem:$0x1C8E0] =	vst v63  }
0x4a: {  	p0 =	sne.s32 s25, $0x1860;
	_ =	swait.ge [sflag:s18], $0x80  }
0x4b: {  	[sflag:s18] =	ssyncset.done $0x0  }
0x4c: {  	s25 =	sadd.s32 s24, s15;
	s24 =	smov.u32 s28;
	[sflag:s18] =	ssyncadd.s32 $0xFFFFFF80  }
0x4d: {  	[tilespmem:s19], [sflag:$0x2] =	stream.linear.gather [hbm4b:s25+s3], $0x80, $0x38;
	[tilespmem:$0x1C8E0] =	vst v63  }
0x4e: {  	_ =	swait.ge [sflag:s18], $0x80  }
0x4f: {  	[sflag:s18] =	ssyncset.done $0x0  }
0x50: {  	[sflag:s18] =	ssyncadd.s32 $0xFFFFFF80  }
0x51: {  	[tilespmem:s20], [sflag:$0x1] =	stream.indirect.gather [hbm4b:s4+s19], $0x20, s3, s19, $0xb8;
	[tilespmem:$0x1C8E0] =	vst v63  }
0x52: {  	_ =	swait.ge [sflag:s21], $0x1000  }
.Ltmp1:
0x53: {  	[sflag:s21] =	ssyncset.done $0x0;
	(pc) =	sbr.rel @p0 .LBB2_4-.Ltmp1, $4  }
0x54: {  	[sflag:s21] =	ssyncadd.s32 $0xFFFFF000  }
0x55: {  	[spmem:s2] =	stream.indirect.scatter.add.f32 [tilespmem:s20], [sflag:$0x2], $0x20, s19, s19, $0xb8;
	[tilespmem:$0x1C8E0] =	vst v63  }
0x56: {  	_ =	swait.ge [sflag:s18], $0x1000  }
0x57: {  	s25 =	smov.u32 s29;
	[sflag:s18] =	ssyncset.done $0x0  }
0x58: {  	s25 =	sadd.s32 s24, s16;
	[sflag:s18] =	ssyncadd.s32 $0xFFFFF000  }
0x59: {  	[tilespmem:s3], [sflag:$0x2] =	stream.linear.gather [hbm4b:s25+s3], $0x80, $0x38;
	[tilespmem:$0x1C8E0] =	vst v63  }
0x5a: {  	_ =	swait.ge [sflag:s18], $0x80  }
0x5b: {  	[sflag:s18] =	ssyncset.done $0x0  }
0x5c: {  	s30 =	sadd.s32 s24, s15;
	[sflag:s18] =	ssyncadd.s32 $0xFFFFFF80  }
0x5d: {  	[tilespmem:s19], [sflag:$0x2] =	stream.linear.gather [hbm4b:s30+s3], $0x80, $0x38;
	[tilespmem:$0x1C8E0] =	vst v63  }
0x5e: {  	_ =	swait.ge [sflag:s18], $0x80  }
0x5f: {  	[sflag:s18] =	ssyncset.done $0x0  }
0x60: {  	[sflag:s18] =	ssyncadd.s32 $0xFFFFFF80  }
0x61: {  	[tilespmem:s20], [sflag:$0x1] =	stream.indirect.gather [hbm4b:s4+s19], $0x20, s3, s19, $0xb8;
	[tilespmem:$0x1C8E0] =	vst v63  }
0x62: {  	_ =	swait.ge [sflag:s21], $0x1000  }
0x63: {  	[sflag:s21] =	ssyncset.done $0x0  }
0x64: {  	[sflag:s21] =	ssyncadd.s32 $0xFFFFF000  }
0x65: {  	[spmem:s2] =	stream.indirect.scatter.add.f32 [tilespmem:s20], [sflag:$0x2], $0x20, s19, s19, $0xb8;
	[tilespmem:$0x1C8E0] =	vst v63  }
0x66: {  	_ =	swait.ge [sflag:s18], $0x1000  }
0x67: {  	s23 =	sadd.s32 $0x1, s23;
	[sflag:s18] =	ssyncset.done $0x0  }
0x68: {  	s31 =	sshll.u32 s0, $0x6;
	p0 =	sne.s32 s23, s7;
	[sflag:s18] =	ssyncadd.s32 $0xFFFFF000  }
.Ltmp2:
0x69: {  	s24 =	sor.u32 $0x1C02, s31;
	[bflag:$0x0] =	sbarrier.arrive $0xFFFF;
	(pc) =	sbr.rel @p0 .LBB2_1-.Ltmp2, $4  }
0x6a: {  	[hbm:s5], [sflag:s24] =	dma.local [spmem:s22], $0x30E0  }
0x6b: {  	_ =	swait.ge [sflag:s18], $0x30E0  }
0x6c: {  	[sflag:s18] =	ssyncset.done $0x0  }
0x6d: {  	[sflag:s18] =	ssyncadd.s32 $0xFFFFCF20  }
0x6e: {  	_ =	sfence.sel $0x180000  }
0x6f: {  	[bflag:$0x0] =	sbarrier.arrive $0xFFFF  }
0x70: {  	p0 =	sne.s32 s0, $0x0;
	_ =	strace $0x9000004A  }
0x71: {  	s0 =	sadd.s32 @!p0 $0x100000, s1;
	[bflag:$0x2] =	sbarrier.arrive $0xFFFF  }
0x72: {  	[sflag:s0] =	ssyncadd.tile.s32 @!p0 $0x1;
	_ =	shalt  }
.Lfunc_end2:
_tile_overlayer_lowered:
.L_overlay_start_2:
0x73: {  	(tag) =	ssettag $0x2  }
0x74: {  	s0 =	rddreg [dreg:$0x0];
	s2 =	stileid.u32  }
0x75: {  	s1 =	rddreg [dreg:$0x1];
	p0 =	sne.s32 s2, $0x0  }
0x76: {  	s3 =	rddreg [dreg:$0x2];
	[bflag:$0x3] =	sbarrier.arrive $0xFFFF;
	s2 =	simm.s32 @!p0 $0x1C02  }
0x77: {  	[timem:s3], [sflag:s2] =	dma.local @!p0 [hbm:s0], s1  }
0x78: {  	s0 =	simm.s32 @!p0 $0x2  }
0x79: {  	_ =	swait.ge @!p0 [sflag:s0], s1  }
0x7a: {  	s1 =	ssub.s32 @!p0 $0x0, s1;
	[sflag:s0] =	ssyncset.done @!p0 $0x0  }
0x7b: {  	[sflag:s0] =	ssyncadd.s32 @!p0 s1  }
0x7c: {  	[bflag:$0x3] =	sbarrier.arrive $0xFFFF  }
0x7d: {  	_ =	shalt  }

// kernel: kernel.15.cloned.1.call-start
scs
__scs_entry_jumppad:
0x0: {  	(pc) =	sbr.rel $0x88, $3  }
0x1: {  	(tag) =	ssettag $0x0;
	lr =	simm.s32 $0x1  }
0x2: {  	[smem:$0x3F98] =	sst lr;
	_ =	strace $0xD0000000  }
0x3: {  	_ = 	snop  }
0x4: {  	_ = 	snop  }
0x5: {  	_ = 	snop  }
0x6: {  	_ = 	snop  }
0x7: {  	_ = 	snop  }
__scs_overlays_trampoline_lowered:
0x8: {  	[smem:$0x3FA7] =	sst s0  }
0x9: {  	[smem:$0x3FA8] =	sst s1  }
0xa: {  	[smem:$0x3FA9] =	sst s2  }
0xb: {  	[smem:$0x3FAA] =	sst s3  }
0xc: {  	[smem:$0x3FAB] =	sst s4  }
0xd: {  	[smem:$0x3FAC] =	sst s5  }
0xe: {  	[smem:$0x3FAD] =	sst s6  }
0xf: {  	[smem:$0x3FAE] =	sst s7  }
0x10: {  	[smem:$0x3FAF] =	sst s8  }
0x11: {  	[smem:$0x3FB0] =	sst s9;
	s0 =	simm.s32 @!p0 $0x0  }
0x12: {  	s1 =	sld [smem:$0x3F96];
	s0 =	simm.s32 @p0 $0x1  }
0x13: {  	[smem:$0x3FB1] =	sst s0;
	s0 =	simm.s32 @!p1 $0x0  }
0x14: {  	s2 =	sld [smem:$0x3F95];
	s0 =	simm.s32 @p1 $0x1  }
0x15: {  	[smem:$0x3FB2] =	sst s0;
	s0 =	simm.s32 @!p2 $0x0  }
0x16: {  	s3 =	sld [smem:$0x3FDB];
	s0 =	simm.s32 @p2 $0x1  }
0x17: {  	s4 =	simm.s32 $0x1BF5;
	[smem:$0x3FB4] =	sst s0  }
0x18: {  	s0 =	sld [smem:$0x3F97];
	_ =	swait.ge [sflag:s4], $0x0  }
0x19: {  	s7 =	sld [smem:$0x3F98]  }
0x1a: {  	s8 =	sadd.s32 $0xFFFFE003, lr  }
0x1b: {  	s9 =	sadd.s32 $0xFFFFFEF7, lr;
	s5 =	simm.s32 $0xFFFFFFFF;
	p2 =	slt.u32 s8, $0xFFFFF086  }
0x1c: {  	p1 =	slt.u32 s9, $0xF7A;
	s5 =	simm.s32 @!p2 $0x0  }
0x1d: {  	s5 =	simm.s32 @p1 $0x1;
	p0 =	seq.s32 s7, s2  }
0x1e: {  	s7 =	smul.u32 @!p0 $0xF7A, s2;
	p2 =	seq.s32 @!p0 s5, $0x0  }
0x1f: {  	s9 =	smul.u32 $0xF7A, s1;
	s8 =	simm.s32 @!p0 $0x1BF5;
	p2 =	por !p2, p0  }
0x20: {  	[sflag:s8] =	ssyncset.s32 @!p0 $0xFFFFF086;
	s6 =	sadd.s32 @!p0 s3, s7;
	s7 =	simm.s32 @!p0 $0x108  }
0x21: {  	s3 =	sadd.s32 s3, s9;
	s6 =	sadd.s32 @!p0 $0x88, s6;
	s7 =	simm.s32 @p2 $0x1082  }
0x22: {  	[simem:s7], [sflag:s8] =	dma.local @!p0 [hbm:s6], $0xF7A  }
0x23: {  	s9 =	sor.u32 $0xD0000000, s2;
	s6 =	simm.s32 $0x108;
	_ =	swait.ge @!p0 [sflag:s8], $0x0  }
0x24: {  	s3 =	sadd.s32 $0x88, s3;
	s6 =	simm.s32 @!p1 $0x1082;
	[sflag:s4] =	ssyncset.s32 $0xFFFFF086  }
0x25: {  	[simem:s6], [sflag:s4] =	dma.local [hbm:s3], $0xF7A  }
0x26: {  	[smem:$0x3F98] =	sst s1;
	(tag) =	ssettag s2;
	_ =	strace s9  }
0x27: {  	s1 =	sld [smem:$0x3FA8]  }
0x28: {  	s2 =	sld [smem:$0x3FA9]  }
0x29: {  	s4 =	sld [smem:$0x3FAB]  }
0x2a: {  	p0 =	seq.s32 s5, $0x0;
	s5 =	sld [smem:$0x3FAC]  }
0x2b: {  	s6 =	sld [smem:$0x3FAD]  }
0x2c: {  	s7 =	sld [smem:$0x3FAE]  }
0x2d: {  	s3 =	simm.s32 $0x108;
	s8 =	sld [smem:$0x3FAF]  }
0x2e: {  	s3 =	simm.s32 @!p0 $0x1082;
	s9 =	sld [smem:$0x3FB0]  }
0x2f: {  	lr =	sadd.s32 s0, s3;
	s0 =	sld [smem:$0x3FA7]  }
0x30: {  	s3 =	sld [smem:$0x3FAA]  }
0x31: {  	[smem:$0x3FB3] =	sst s10  }
0x32: {  	s10 =	sld [smem:$0x3FB1];
	_ =	sdelay $0x3  }
0x33: {  	p0 =	seq.s32 s10, $0x1;
	s10 =	sld [smem:$0x3FB3];
	_ =	sdelay $0x3  }
0x34: {  	[smem:$0x3FB3] =	sst s10  }
0x35: {  	s10 =	sld [smem:$0x3FB2];
	_ =	sdelay $0x3  }
0x36: {  	p1 =	seq.s32 s10, $0x1;
	s10 =	sld [smem:$0x3FB3];
	_ =	sdelay $0x3  }
0x37: {  	[smem:$0x3FB3] =	sst s10  }
0x38: {  	s10 =	sld [smem:$0x3FB4]  }
0x39: {  	_ = 	snop;
	(pc) =	sbr.ind lr, $3  }
0x3a: {  	_ = 	snop  }
0x3b: {  	_ = 	snop  }
0x3c: {  	p2 =	seq.s32 s10, $0x1;
	s10 =	sld [smem:$0x3FB3]  }
0x3d: {  	_ =	shalt  }
0x3e: {  	_ =	shalt  }
0x3f: {  	_ =	shalt  }
0x40: {  	_ =	shalt  }
0x41: {  	_ =	shalt  }
0x42: {  	_ =	shalt  }
0x43: {  	_ =	shalt  }
0x44: {  	_ =	shalt  }
0x45: {  	_ =	shalt  }
0x46: {  	_ =	shalt  }
0x47: {  	_ =	shalt  }
0x48: {  	_ =	shalt  }
0x49: {  	_ =	shalt  }
0x4a: {  	_ =	shalt  }
0x4b: {  	_ =	shalt  }
0x4c: {  	_ =	shalt  }
0x4d: {  	_ =	shalt  }
0x4e: {  	_ =	shalt  }
0x4f: {  	_ =	shalt  }
0x50: {  	_ =	shalt  }
0x51: {  	_ =	shalt  }
0x52: {  	_ =	shalt  }
0x53: {  	_ =	shalt  }
0x54: {  	_ =	shalt  }
0x55: {  	_ =	shalt  }
0x56: {  	_ =	shalt  }
0x57: {  	_ =	shalt  }
0x58: {  	_ =	shalt  }
0x59: {  	_ =	shalt  }
0x5a: {  	_ =	shalt  }
0x5b: {  	_ =	shalt  }
0x5c: {  	_ =	shalt  }
0x5d: {  	_ =	shalt  }
0x5e: {  	_ =	shalt  }
0x5f: {  	_ =	shalt  }
0x60: {  	_ =	shalt  }
0x61: {  	_ =	shalt  }
0x62: {  	_ =	shalt  }
0x63: {  	_ =	shalt  }
0x64: {  	_ =	shalt  }
0x65: {  	_ =	shalt  }
0x66: {  	_ =	shalt  }
0x67: {  	_ =	shalt  }
0x68: {  	_ =	shalt  }
0x69: {  	_ =	shalt  }
0x6a: {  	_ =	shalt  }
0x6b: {  	_ =	shalt  }
0x6c: {  	_ =	shalt  }
0x6d: {  	_ =	shalt  }
0x6e: {  	_ =	shalt  }
0x6f: {  	_ =	shalt  }
0x70: {  	_ =	shalt  }
0x71: {  	_ =	shalt  }
0x72: {  	_ =	shalt  }
0x73: {  	_ =	shalt  }
0x74: {  	_ =	shalt  }
0x75: {  	_ =	shalt  }
0x76: {  	_ =	shalt  }
0x77: {  	_ =	shalt  }
0x78: {  	_ =	shalt  }
0x79: {  	_ =	shalt  }
0x7a: {  	_ =	shalt  }
0x7b: {  	_ =	shalt  }
0x7c: {  	_ =	shalt  }
0x7d: {  	_ =	shalt  }
0x7e: {  	_ =	shalt  }
0x7f: {  	_ =	shalt  }
0x80: {  	_ =	shalt  }
0x81: {  	_ =	shalt  }
0x82: {  	_ =	shalt  }
0x83: {  	_ =	shalt  }
0x84: {  	_ =	shalt  }
0x85: {  	_ =	shalt  }
0x86: {  	_ =	shalt  }
0x87: {  	_ =	shalt  }
.Lfunc_end0:
.L_simem_size_0:
called_computation.2_lowered:
.L_overlay_start_0:
0x88: {  	s2 =	sld [smem:$0x3FD9]  }
0x89: {  	s3 =	sld [smem:$0x3FFE];
	_ =	sdelay $0x1  }
0x8a: {  	s1 =	srdreg.scid  }
0x8b: {  	s0 =	sand.u32 $0x1, s1  }
0x8c: {  	s16 =	sshll.u32 s0, $0xA;
	s2 =	sadd.s32 s3, s2  }
0x8d: {  	s2 =	sadd.s32 s2, s16  }
0x8e: {  	[smem:$0x3FBF] =	sst s2  }
0x8f: {  	_ = 	snop  }
0x90: {  	(tm) =	ssettm $0x1  }
0x91: {  	s17 =	sld [smem:$0x3FFB];
	_ =	sdelay $0x3  }
0x92: {  	_ =	strace s17  }
0x93: {  	s2 =	sld [smem:$0x3FFC];
	_ =	sdelay $0x3  }
0x94: {  	_ =	strace s2  }
0x95: {  	s2 =	sld [smem:$0x3FFD];
	_ =	sdelay $0x3  }
0x96: {  	_ =	strace s2  }
0x97: {  	_ =	strace $0x8FFFFFFF  }
0x98: {  	s18 =	sld [smem:$0x3FDB];
	_ =	sdelay $0x1  }
0x99: {  	s19 =	simm.s32 $_scs_section_size  }
0x9a: {  	s4 =	simm.s32 $_size__tile_overlayer_lowered;
	s5 =	simm.s32 $_tile_overlayer_lowered  }
0x9b: {  	s22 =	simm.s32 $0x1BFF;
	s21 =	sshll.u32 s5, $0x1;
	s2 =	sadd.s32 s19, s18  }
0x9c: {  	s6 =	simm.s32 $0x0;
	s20 =	sshll.u32 s4, $0x1;
	s4 =	sadd.s32 s21, s2  }
0x9d: {  	[timem:s6], [sflag:s22] =	dma.local [hbm:s4], s20  }
0x9e: {  	_ =	swait.ge [sflag:s22], s20  }
0x9f: {  	s3 =	ssub.s32 $0x0, s20;
	[sflag:s22] =	ssyncset.done $0x0  }
0xa0: {  	[sflag:s22] =	ssyncadd.s32 s3;
	_ =	sdelay $0x1  }
0xa1: {  	s23 =	simm.s32 $0x1B8B  }
0xa2: {  	_ =	swait.ge [sflag:s23], $0x1  }
0xa3: {  	[sflag:s23] =	ssyncset.done $0x0  }
0xa4: {  	s25 =	simm.s32 $0x1B8E;
	s24 =	sld [smem:$0x3FFE];
	[sflag:s23] =	ssyncadd.s32 $0xFFFFFFFF  }
0xa5: {  	s26 =	simm.s32 $execute0_lowered;
	[smem:$0x3FD2] =	sst s25  }
0xa6: {  	s4 =	sshll.u32 s26, $0x1;
	_ =	strace $0x8000004C;
	[dreg:$0x1] =	wrdreg $0xFFFFFFFF  }
0xa7: {  	s28 =	simm.s32 $_size_execute0_lowered;
	s2 =	sadd.s32 s2, s4;
	[dreg:$0x0] =	wrdreg $0x0  }
0xa8: {  	s4 =	sshll.u32 s28, $0x1;
	[dreg:$0x2] =	wrdreg s2  }
0xa9: {  	[dreg:$0x3] =	wrdreg s4  }
0xaa: {  	[dreg:$0x4] =	wrdreg $0xC0  }
0xab: {  	_ =	task [dreg:s6], $0x5FFFF  }
0xac: {  	[dreg:$0x1] =	wrdreg $0xFFFFFFFF  }
0xad: {  	[dreg:$0x0] =	wrdreg $0x60  }
0xae: {  	[dreg:$0x2] =	wrdreg s24  }
0xaf: {  	[dreg:$0x3] =	wrdreg $0x41E00  }
0xb0: {  	[dreg:$0x4] =	wrdreg $0x9  }
0xb1: {  	_ =	task.clear_ibuf [dreg:s6], $0x5FFFF;
	_ =	strace $0x9000004C  }
0xb2: {  	s29 =	simm.s32 $0x9;
	_ =	strace $0x8000004E  }
0xb3: {  	_ =	swait.ge [sflag:s29], $0x1  }
0xb4: {  	[sflag:s29] =	ssyncadd.s32 $0xFFFFFFFF  }
0xb5: {  	_ =	strace $0x9000004E  }
0xb6: {  	_ =	sfence  }
0xb7: {  	s30 =	sld [smem:$0x0];
	_ =	sdelay $0x2  }
0xb8: {  	s31 =	sshll.u32 s1, $0xD;
	s1 =	sshrl.u32 s1, $0x2  }
0xb9: {  	s3 =	sand.u32 $0x4000, s31;
	s1 =	sadd.s32 s1, s30  }
0xba: {  	s0 =	sor.u32 s3, s0;
	s1 =	sshll.u32 s1, $0x11  }
0xbb: {  	s0 =	sor.u32 s1, s0  }
0xbc: {  	s0 =	sadd.s32 $0x8F2B, s0  }
0xbd: {  	[sflag:s0] =	ssyncadd.remote.s32 $0x1  }
0xbe: {  	_ =	sfence.sel $0xFFFF  }
0xbf: {  	[dreg:$0x0] =	wrdreg $0xFFFFFFFF;
	(pc) =	sbr.abs _section_cstart, $3  }
0xc0: {  	[dreg:$0x1] =	wrdreg $0xFFFFFFFF  }
0xc1: {  	_ =	task.clear_ibuf [dreg:s6], $0x2FFFF;
	_ =	strace $0x9FFFFFFF  }
0xc2: {  	(tm) =	ssettm $0x7FFFFFFF  }
0xc3: {  	_ =	shalt  }
tec
execute0_lowered:
.L_overlay_start_1:
0x0: {  	(tag) =	ssettag $0x1  }
0x1: {  	s1 =	srdreg.scid;
	s5 =	rddreg [dreg:$0x0]  }
0x2: {  	s0 =	stileid.u32;
	s2 =	rddreg [dreg:$0x1];
	s3 =	simm.s32 $0x0  }
0x3: {  	s17 =	simm.s32 $0x1100;
	s18 =	simm.s32 $0x2;
	s19 =	simm.s32 $0x80  }
0x4: {  	s20 =	simm.s32 $0x100;
	s21 =	simm.s32 $0x1;
	s7 =	smul.u32 $0x18700, s0  }
0x5: {  	s6 =	sand.u32 $0x1, s1;
	s1 =	rddreg [dreg:$0x2];
	s9 =	smul.u32 $0x61C00, s0  }
0x6: {  	s23 =	simm.s32 $0x0;
	[smem:$0x7FF] =	sst s3;
	s4 =	smul.u32 $0xC380, s6  }
0x7: {  	s8 =	smul.u32 $0x187000, s6;
	_ =	strace $0x8000004D;
	s6 =	ssub.s32 $0x2, s6  }
0x8: {  	s31 =	sshrl.u32 s6, $0x1;
	s9 =	sshrl.u32 s9, $0x2;
	s4 =	sadd.s32 s4, s7  }
0x9: {  	s22 =	sadd.s32 s7, s2;
	s8 =	sadd.s32 s7, s8;
	s4 =	sshrl.u32 s4, $0x3  }
0xa: {  	s22 =	sshrl.u32 s22, $0x3;
	s8 =	sshrl.u32 s8, $0x3;
	s16 =	sadd.s32 s4, s5  }
0xb: {  	s4 =	sadd.s32 $0x1600, s5;
	s5 =	sadd.s32 s8, s5;
	s8 =	ssub.s32 s6, s31  }
0xc: {  	s6 =	sadd.s32 s9, s2;
	s5 =	sadd.s32 $0x94000, s5;
	s7 =	smax.u32 s8, $0x1  }
0xd: {  	s8 =	sadd.s32 $0x30E0, s6;
	s9 =	sadd.s32 $0x61C0, s6;
	s10 =	sadd.s32 $0x92A0, s6  }
0xe: {  	s11 =	sadd.s32 $0xC380, s6;
	s12 =	sadd.s32 $0xF460, s6;
	s13 =	sadd.s32 $0x12540, s6  }
0xf: {  	v0 =	vimm.f32 $0.0e+00;
	s14 =	sadd.s32 $0x15620, s6;
	s15 =	sadd.s32 $0x32400, s16;
	s16 =	sadd.s32 $0x63200, s16  }
.LBB2_1:
0x10: {  	s24 =	simm.s32 $0x80;
	s25 =	simm.s32 $0x0  }
.LBB2_2:
0x11: {  	p0 =	sne.s32 s24, $0xC300;
	[tilespmem:s25+$0x1100] =	vst v0;
	s26 =	smov.u32 s24;
	s24 =	sadd.s32 $0x80, s24  }
.Ltmp0:
0x12: {  	[tilespmem:s25+$0x1110] =	vst v0;
	(pc) =	sbr.rel @p0 .LBB2_2-.Ltmp0, $2  }
0x13: {  	_ =	sdelay $0x2  }
0x14: {  	s25 =	sshra.s32 s26, $0x2  }
0x15: {  	[tilespmem:s25+$0x1100] =	vst v0  }
0x16: {  	[tilespmem:s25+$0x1110] =	vst v0  }
0x17: {  	[spmem:s6] =	stream.linear.scatter [tilespmem:s17], [sflag:$0x2], $0x30E0, $0x38;
	[tilespmem:$0x1C8E0] =	vst v63  }
0x18: {  	_ =	swait.ge [sflag:s18], $0x30E0  }
0x19: {  	[sflag:s18] =	ssyncset.done $0x0  }
0x1a: {  	[sflag:s18] =	ssyncadd.s32 $0xFFFFCF20  }
0x1b: {  	[spmem:s8] =	stream.linear.scatter [tilespmem:s17], [sflag:$0x2], $0x30E0, $0x38;
	[tilespmem:$0x1C8E0] =	vst v63  }
0x1c: {  	_ =	swait.ge [sflag:s18], $0x30E0  }
0x1d: {  	[sflag:s18] =	ssyncset.done $0x0  }
0x1e: {  	[sflag:s18] =	ssyncadd.s32 $0xFFFFCF20  }
0x1f: {  	[spmem:s9] =	stream.linear.scatter [tilespmem:s17], [sflag:$0x2], $0x30E0, $0x38;
	[tilespmem:$0x1C8E0] =	vst v63  }
0x20: {  	_ =	swait.ge [sflag:s18], $0x30E0  }
0x21: {  	[sflag:s18] =	ssyncset.done $0x0  }
0x22: {  	[sflag:s18] =	ssyncadd.s32 $0xFFFFCF20  }
0x23: {  	[spmem:s10] =	stream.linear.scatter [tilespmem:s17], [sflag:$0x2], $0x30E0, $0x38;
	[tilespmem:$0x1C8E0] =	vst v63  }
0x24: {  	_ =	swait.ge [sflag:s18], $0x30E0  }
0x25: {  	[sflag:s18] =	ssyncset.done $0x0  }
0x26: {  	[sflag:s18] =	ssyncadd.s32 $0xFFFFCF20  }
0x27: {  	[spmem:s11] =	stream.linear.scatter [tilespmem:s17], [sflag:$0x2], $0x30E0, $0x38;
	[tilespmem:$0x1C8E0] =	vst v63  }
0x28: {  	_ =	swait.ge [sflag:s18], $0x30E0  }
0x29: {  	[sflag:s18] =	ssyncset.done $0x0  }
0x2a: {  	[sflag:s18] =	ssyncadd.s32 $0xFFFFCF20  }
0x2b: {  	[spmem:s12] =	stream.linear.scatter [tilespmem:s17], [sflag:$0x2], $0x30E0, $0x38;
	[tilespmem:$0x1C8E0] =	vst v63  }
0x2c: {  	_ =	swait.ge [sflag:s18], $0x30E0  }
0x2d: {  	[sflag:s18] =	ssyncset.done $0x0  }
0x2e: {  	[sflag:s18] =	ssyncadd.s32 $0xFFFFCF20  }
0x2f: {  	[spmem:s13] =	stream.linear.scatter [tilespmem:s17], [sflag:$0x2], $0x30E0, $0x38;
	[tilespmem:$0x1C8E0] =	vst v63  }
0x30: {  	_ =	swait.ge [sflag:s18], $0x30E0  }
0x31: {  	[sflag:s18] =	ssyncset.done $0x0  }
0x32: {  	[sflag:s18] =	ssyncadd.s32 $0xFFFFCF20  }
0x33: {  	[spmem:s14] =	stream.linear.scatter [tilespmem:s17], [sflag:$0x2], $0x30E0, $0x38;
	[tilespmem:$0x1C8E0] =	vst v63  }
0x34: {  	_ =	swait.ge [sflag:s18], $0x30E0  }
0x35: {  	[sflag:s18] =	ssyncset.done $0x0  }
0x36: {  	[sflag:s18] =	ssyncadd.s32 $0xFFFFCF20  }
0x37: {  	s24 =	sadd.s32 $0x0, s16;
	[bflag:$0x0] =	sbarrier.arrive $0xFFFF  }
0x38: {  	[tilespmem:s3], [sflag:$0x2] =	stream.linear.gather [hbm4b:s24+s3], $0x80, $0x38;
	[tilespmem:$0x1C8E0] =	vst v63  }
0x39: {  	_ =	swait.ge [sflag:s18], $0x80  }
0x3a: {  	[sflag:s18] =	ssyncset.done $0x0  }
0x3b: {  	s31 =	sadd.s32 $0x0, s15;
	[sflag:s18] =	ssyncadd.s32 $0xFFFFFF80  }
0x3c: {  	[tilespmem:s19], [sflag:$0x2] =	stream.linear.gather [hbm4b:s31+s3], $0x80, $0x38;
	[tilespmem:$0x1C8E0] =	vst v63  }
0x3d: {  	_ =	swait.ge [sflag:s18], $0x80  }
0x3e: {  	[sflag:s18] =	ssyncset.done $0x0  }
0x3f: {  	[sflag:s18] =	ssyncadd.s32 $0xFFFFFF80  }
0x40: {  	[tilespmem:s20], [sflag:$0x1] =	stream.indirect.gather [hbm4b:s4+s19], $0x20, s3, s19, $0xb8;
	[tilespmem:$0x1C8E0] =	vst v63  }
0x41: {  	_ =	swait.ge [sflag:s21], $0x1000  }
0x42: {  	[sflag:s21] =	ssyncset.done $0x0  }
0x43: {  	[sflag:s21] =	ssyncadd.s32 $0xFFFFF000  }
0x44: {  	[spmem:s2] =	stream.indirect.scatter.add.f32 [tilespmem:s20], [sflag:$0x2], $0x20, s19, s19, $0xb8;
	[tilespmem:$0x1C8E0] =	vst v63  }
0x45: {  	_ =	swait.ge [sflag:s18], $0x1000  }
0x46: {  	s25 =	simm.s32 $0x20;
	s24 =	simm.s32 $0x10;
	[sflag:s18] =	ssyncset.done $0x0  }
.LBB2_4:
0x47: {  	s26 =	sadd.s32 s24, s16  }
0x48: {  	[sflag:s18] =	ssyncadd.s32 $0xFFFFF000;
	s28 =	smov.u32 s25;
	s29 =	sadd.s32 $0x10, s25  }
0x49: {  	[tilespmem:s3], [sflag:$0x2] =	stream.linear.gather [hbm4b:s26+s3], $0x80, $0x38;
	[tilespmem:$0x1C8E0] =	vst v63  }
0x4a: {  	p0 =	sne.s32 s25, $0x1860;
	_ =	swait.ge [sflag:s18], $0x80  }
0x4b: {  	[sflag:s18] =	ssyncset.done $0x0  }
0x4c: {  	s25 =	sadd.s32 s24, s15;
	s24 =	smov.u32 s28;
	[sflag:s18] =	ssyncadd.s32 $0xFFFFFF80  }
0x4d: {  	[tilespmem:s19], [sflag:$0x2] =	stream.linear.gather [hbm4b:s25+s3], $0x80, $0x38;
	[tilespmem:$0x1C8E0] =	vst v63  }
0x4e: {  	_ =	swait.ge [sflag:s18], $0x80  }
0x4f: {  	[sflag:s18] =	ssyncset.done $0x0  }
0x50: {  	[sflag:s18] =	ssyncadd.s32 $0xFFFFFF80  }
0x51: {  	[tilespmem:s20], [sflag:$0x1] =	stream.indirect.gather [hbm4b:s4+s19], $0x20, s3, s19, $0xb8;
	[tilespmem:$0x1C8E0] =	vst v63  }
0x52: {  	_ =	swait.ge [sflag:s21], $0x1000  }
.Ltmp1:
0x53: {  	[sflag:s21] =	ssyncset.done $0x0;
	(pc) =	sbr.rel @p0 .LBB2_4-.Ltmp1, $4  }
0x54: {  	[sflag:s21] =	ssyncadd.s32 $0xFFFFF000  }
0x55: {  	[spmem:s2] =	stream.indirect.scatter.add.f32 [tilespmem:s20], [sflag:$0x2], $0x20, s19, s19, $0xb8;
	[tilespmem:$0x1C8E0] =	vst v63  }
0x56: {  	_ =	swait.ge [sflag:s18], $0x1000  }
0x57: {  	s25 =	smov.u32 s29;
	[sflag:s18] =	ssyncset.done $0x0  }
0x58: {  	s25 =	sadd.s32 s24, s16;
	[sflag:s18] =	ssyncadd.s32 $0xFFFFF000  }
0x59: {  	[tilespmem:s3], [sflag:$0x2] =	stream.linear.gather [hbm4b:s25+s3], $0x80, $0x38;
	[tilespmem:$0x1C8E0] =	vst v63  }
0x5a: {  	_ =	swait.ge [sflag:s18], $0x80  }
0x5b: {  	[sflag:s18] =	ssyncset.done $0x0  }
0x5c: {  	s30 =	sadd.s32 s24, s15;
	[sflag:s18] =	ssyncadd.s32 $0xFFFFFF80  }
0x5d: {  	[tilespmem:s19], [sflag:$0x2] =	stream.linear.gather [hbm4b:s30+s3], $0x80, $0x38;
	[tilespmem:$0x1C8E0] =	vst v63  }
0x5e: {  	_ =	swait.ge [sflag:s18], $0x80  }
0x5f: {  	[sflag:s18] =	ssyncset.done $0x0  }
0x60: {  	[sflag:s18] =	ssyncadd.s32 $0xFFFFFF80  }
0x61: {  	[tilespmem:s20], [sflag:$0x1] =	stream.indirect.gather [hbm4b:s4+s19], $0x20, s3, s19, $0xb8;
	[tilespmem:$0x1C8E0] =	vst v63  }
0x62: {  	_ =	swait.ge [sflag:s21], $0x1000  }
0x63: {  	[sflag:s21] =	ssyncset.done $0x0  }
0x64: {  	[sflag:s21] =	ssyncadd.s32 $0xFFFFF000  }
0x65: {  	[spmem:s2] =	stream.indirect.scatter.add.f32 [tilespmem:s20], [sflag:$0x2], $0x20, s19, s19, $0xb8;
	[tilespmem:$0x1C8E0] =	vst v63  }
0x66: {  	_ =	swait.ge [sflag:s18], $0x1000  }
0x67: {  	s23 =	sadd.s32 $0x1, s23;
	[sflag:s18] =	ssyncset.done $0x0  }
0x68: {  	s31 =	sshll.u32 s0, $0x6;
	p0 =	sne.s32 s23, s7;
	[sflag:s18] =	ssyncadd.s32 $0xFFFFF000  }
.Ltmp2:
0x69: {  	s24 =	sor.u32 $0x1C02, s31;
	[bflag:$0x0] =	sbarrier.arrive $0xFFFF;
	(pc) =	sbr.rel @p0 .LBB2_1-.Ltmp2, $4  }
0x6a: {  	[hbm:s5], [sflag:s24] =	dma.local [spmem:s22], $0x30E0  }
0x6b: {  	_ =	swait.ge [sflag:s18], $0x30E0  }
0x6c: {  	[sflag:s18] =	ssyncset.done $0x0  }
0x6d: {  	[sflag:s18] =	ssyncadd.s32 $0xFFFFCF20  }
0x6e: {  	_ =	sfence.sel $0x180000  }
0x6f: {  	[bflag:$0x0] =	sbarrier.arrive $0xFFFF  }
0x70: {  	p0 =	sne.s32 s0, $0x0;
	_ =	strace $0x9000004D  }
0x71: {  	s0 =	sadd.s32 @!p0 $0x100000, s1;
	[bflag:$0x2] =	sbarrier.arrive $0xFFFF  }
0x72: {  	[sflag:s0] =	ssyncadd.tile.s32 @!p0 $0x1;
	_ =	shalt  }
.Lfunc_end2:
_tile_overlayer_lowered:
.L_overlay_start_2:
0x73: {  	(tag) =	ssettag $0x2  }
0x74: {  	s0 =	rddreg [dreg:$0x0];
	s2 =	stileid.u32  }
0x75: {  	s1 =	rddreg [dreg:$0x1];
	p0 =	sne.s32 s2, $0x0  }
0x76: {  	s3 =	rddreg [dreg:$0x2];
	[bflag:$0x3] =	sbarrier.arrive $0xFFFF;
	s2 =	simm.s32 @!p0 $0x1C02  }
0x77: {  	[timem:s3], [sflag:s2] =	dma.local @!p0 [hbm:s0], s1  }
0x78: {  	s0 =	simm.s32 @!p0 $0x2  }
0x79: {  	_ =	swait.ge @!p0 [sflag:s0], s1  }
0x7a: {  	s1 =	ssub.s32 @!p0 $0x0, s1;
	[sflag:s0] =	ssyncset.done @!p0 $0x0  }
0x7b: {  	[sflag:s0] =	ssyncadd.s32 @!p0 s1  }
0x7c: {  	[bflag:$0x3] =	sbarrier.arrive $0xFFFF  }
0x7d: {  	_ =	shalt  }

// kernel: kernel.9.cloned.1.call-start
scs
__scs_entry_jumppad:
0x0: {  	(pc) =	sbr.rel $0x88, $3  }
0x1: {  	(tag) =	ssettag $0x0;
	lr =	simm.s32 $0x1  }
0x2: {  	[smem:$0x3F98] =	sst lr;
	_ =	strace $0xD0000000  }
0x3: {  	_ = 	snop  }
0x4: {  	_ = 	snop  }
0x5: {  	_ = 	snop  }
0x6: {  	_ = 	snop  }
0x7: {  	_ = 	snop  }
__scs_overlays_trampoline_lowered:
0x8: {  	[smem:$0x3FA7] =	sst s0  }
0x9: {  	[smem:$0x3FA8] =	sst s1  }
0xa: {  	[smem:$0x3FA9] =	sst s2  }
0xb: {  	[smem:$0x3FAA] =	sst s3  }
0xc: {  	[smem:$0x3FAB] =	sst s4  }
0xd: {  	[smem:$0x3FAC] =	sst s5  }
0xe: {  	[smem:$0x3FAD] =	sst s6  }
0xf: {  	[smem:$0x3FAE] =	sst s7  }
0x10: {  	[smem:$0x3FAF] =	sst s8  }
0x11: {  	[smem:$0x3FB0] =	sst s9;
	s0 =	simm.s32 @!p0 $0x0  }
0x12: {  	s1 =	sld [smem:$0x3F96];
	s0 =	simm.s32 @p0 $0x1  }
0x13: {  	[smem:$0x3FB1] =	sst s0;
	s0 =	simm.s32 @!p1 $0x0  }
0x14: {  	s2 =	sld [smem:$0x3F95];
	s0 =	simm.s32 @p1 $0x1  }
0x15: {  	[smem:$0x3FB2] =	sst s0;
	s0 =	simm.s32 @!p2 $0x0  }
0x16: {  	s3 =	sld [smem:$0x3FDB];
	s0 =	simm.s32 @p2 $0x1  }
0x17: {  	s4 =	simm.s32 $0x1BF5;
	[smem:$0x3FB4] =	sst s0  }
0x18: {  	s0 =	sld [smem:$0x3F97];
	_ =	swait.ge [sflag:s4], $0x0  }
0x19: {  	s7 =	sld [smem:$0x3F98]  }
0x1a: {  	s8 =	sadd.s32 $0xFFFFE003, lr  }
0x1b: {  	s9 =	sadd.s32 $0xFFFFFEF7, lr;
	s5 =	simm.s32 $0xFFFFFFFF;
	p2 =	slt.u32 s8, $0xFFFFF086  }
0x1c: {  	p1 =	slt.u32 s9, $0xF7A;
	s5 =	simm.s32 @!p2 $0x0  }
0x1d: {  	s5 =	simm.s32 @p1 $0x1;
	p0 =	seq.s32 s7, s2  }
0x1e: {  	s7 =	smul.u32 @!p0 $0xF7A, s2;
	p2 =	seq.s32 @!p0 s5, $0x0  }
0x1f: {  	s9 =	smul.u32 $0xF7A, s1;
	s8 =	simm.s32 @!p0 $0x1BF5;
	p2 =	por !p2, p0  }
0x20: {  	[sflag:s8] =	ssyncset.s32 @!p0 $0xFFFFF086;
	s6 =	sadd.s32 @!p0 s3, s7;
	s7 =	simm.s32 @!p0 $0x108  }
0x21: {  	s3 =	sadd.s32 s3, s9;
	s6 =	sadd.s32 @!p0 $0x88, s6;
	s7 =	simm.s32 @p2 $0x1082  }
0x22: {  	[simem:s7], [sflag:s8] =	dma.local @!p0 [hbm:s6], $0xF7A  }
0x23: {  	s9 =	sor.u32 $0xD0000000, s2;
	s6 =	simm.s32 $0x108;
	_ =	swait.ge @!p0 [sflag:s8], $0x0  }
0x24: {  	s3 =	sadd.s32 $0x88, s3;
	s6 =	simm.s32 @!p1 $0x1082;
	[sflag:s4] =	ssyncset.s32 $0xFFFFF086  }
0x25: {  	[simem:s6], [sflag:s4] =	dma.local [hbm:s3], $0xF7A  }
0x26: {  	[smem:$0x3F98] =	sst s1;
	(tag) =	ssettag s2;
	_ =	strace s9  }
0x27: {  	s1 =	sld [smem:$0x3FA8]  }
0x28: {  	s2 =	sld [smem:$0x3FA9]  }
0x29: {  	s4 =	sld [smem:$0x3FAB]  }
0x2a: {  	p0 =	seq.s32 s5, $0x0;
	s5 =	sld [smem:$0x3FAC]  }
0x2b: {  	s6 =	sld [smem:$0x3FAD]  }
0x2c: {  	s7 =	sld [smem:$0x3FAE]  }
0x2d: {  	s3 =	simm.s32 $0x108;
	s8 =	sld [smem:$0x3FAF]  }
0x2e: {  	s3 =	simm.s32 @!p0 $0x1082;
	s9 =	sld [smem:$0x3FB0]  }
0x2f: {  	lr =	sadd.s32 s0, s3;
	s0 =	sld [smem:$0x3FA7]  }
0x30: {  	s3 =	sld [smem:$0x3FAA]  }
0x31: {  	[smem:$0x3FB3] =	sst s10  }
0x32: {  	s10 =	sld [smem:$0x3FB1];
	_ =	sdelay $0x3  }
0x33: {  	p0 =	seq.s32 s10, $0x1;
	s10 =	sld [smem:$0x3FB3];
	_ =	sdelay $0x3  }
0x34: {  	[smem:$0x3FB3] =	sst s10  }
0x35: {  	s10 =	sld [smem:$0x3FB2];
	_ =	sdelay $0x3  }
0x36: {  	p1 =	seq.s32 s10, $0x1;
	s10 =	sld [smem:$0x3FB3];
	_ =	sdelay $0x3  }
0x37: {  	[smem:$0x3FB3] =	sst s10  }
0x38: {  	s10 =	sld [smem:$0x3FB4]  }
0x39: {  	_ = 	snop;
	(pc) =	sbr.ind lr, $3  }
0x3a: {  	_ = 	snop  }
0x3b: {  	_ = 	snop  }
0x3c: {  	p2 =	seq.s32 s10, $0x1;
	s10 =	sld [smem:$0x3FB3]  }
0x3d: {  	_ =	shalt  }
0x3e: {  	_ =	shalt  }
0x3f: {  	_ =	shalt  }
0x40: {  	_ =	shalt  }
0x41: {  	_ =	shalt  }
0x42: {  	_ =	shalt  }
0x43: {  	_ =	shalt  }
0x44: {  	_ =	shalt  }
0x45: {  	_ =	shalt  }
0x46: {  	_ =	shalt  }
0x47: {  	_ =	shalt  }
0x48: {  	_ =	shalt  }
0x49: {  	_ =	shalt  }
0x4a: {  	_ =	shalt  }
0x4b: {  	_ =	shalt  }
0x4c: {  	_ =	shalt  }
0x4d: {  	_ =	shalt  }
0x4e: {  	_ =	shalt  }
0x4f: {  	_ =	shalt  }
0x50: {  	_ =	shalt  }
0x51: {  	_ =	shalt  }
0x52: {  	_ =	shalt  }
0x53: {  	_ =	shalt  }
0x54: {  	_ =	shalt  }
0x55: {  	_ =	shalt  }
0x56: {  	_ =	shalt  }
0x57: {  	_ =	shalt  }
0x58: {  	_ =	shalt  }
0x59: {  	_ =	shalt  }
0x5a: {  	_ =	shalt  }
0x5b: {  	_ =	shalt  }
0x5c: {  	_ =	shalt  }
0x5d: {  	_ =	shalt  }
0x5e: {  	_ =	shalt  }
0x5f: {  	_ =	shalt  }
0x60: {  	_ =	shalt  }
0x61: {  	_ =	shalt  }
0x62: {  	_ =	shalt  }
0x63: {  	_ =	shalt  }
0x64: {  	_ =	shalt  }
0x65: {  	_ =	shalt  }
0x66: {  	_ =	shalt  }
0x67: {  	_ =	shalt  }
0x68: {  	_ =	shalt  }
0x69: {  	_ =	shalt  }
0x6a: {  	_ =	shalt  }
0x6b: {  	_ =	shalt  }
0x6c: {  	_ =	shalt  }
0x6d: {  	_ =	shalt  }
0x6e: {  	_ =	shalt  }
0x6f: {  	_ =	shalt  }
0x70: {  	_ =	shalt  }
0x71: {  	_ =	shalt  }
0x72: {  	_ =	shalt  }
0x73: {  	_ =	shalt  }
0x74: {  	_ =	shalt  }
0x75: {  	_ =	shalt  }
0x76: {  	_ =	shalt  }
0x77: {  	_ =	shalt  }
0x78: {  	_ =	shalt  }
0x79: {  	_ =	shalt  }
0x7a: {  	_ =	shalt  }
0x7b: {  	_ =	shalt  }
0x7c: {  	_ =	shalt  }
0x7d: {  	_ =	shalt  }
0x7e: {  	_ =	shalt  }
0x7f: {  	_ =	shalt  }
0x80: {  	_ =	shalt  }
0x81: {  	_ =	shalt  }
0x82: {  	_ =	shalt  }
0x83: {  	_ =	shalt  }
0x84: {  	_ =	shalt  }
0x85: {  	_ =	shalt  }
0x86: {  	_ =	shalt  }
0x87: {  	_ =	shalt  }
.Lfunc_end0:
.L_simem_size_0:
called_computation_lowered:
.L_overlay_start_0:
0x88: {  	s2 =	sld [smem:$0x3FD9]  }
0x89: {  	s3 =	sld [smem:$0x3FFE];
	_ =	sdelay $0x1  }
0x8a: {  	s1 =	srdreg.scid  }
0x8b: {  	s0 =	sand.u32 $0x1, s1  }
0x8c: {  	s16 =	sshll.u32 s0, $0xA;
	s2 =	sadd.s32 s3, s2  }
0x8d: {  	s2 =	sadd.s32 s2, s16  }
0x8e: {  	[smem:$0x3FBF] =	sst s2  }
0x8f: {  	_ = 	snop  }
0x90: {  	(tm) =	ssettm $0x1  }
0x91: {  	s17 =	sld [smem:$0x3FFB];
	_ =	sdelay $0x3  }
0x92: {  	_ =	strace s17  }
0x93: {  	s2 =	sld [smem:$0x3FFC];
	_ =	sdelay $0x3  }
0x94: {  	_ =	strace s2  }
0x95: {  	s2 =	sld [smem:$0x3FFD];
	_ =	sdelay $0x3  }
0x96: {  	_ =	strace s2  }
0x97: {  	_ =	strace $0x8FFFFFFF  }
0x98: {  	s18 =	sld [smem:$0x3FDB];
	_ =	sdelay $0x1  }
0x99: {  	s19 =	simm.s32 $_scs_section_size  }
0x9a: {  	s4 =	simm.s32 $_size__tile_overlayer_lowered;
	s5 =	simm.s32 $_tile_overlayer_lowered  }
0x9b: {  	s22 =	simm.s32 $0x1BFF;
	s21 =	sshll.u32 s5, $0x1;
	s2 =	sadd.s32 s19, s18  }
0x9c: {  	s6 =	simm.s32 $0x0;
	s20 =	sshll.u32 s4, $0x1;
	s4 =	sadd.s32 s21, s2  }
0x9d: {  	[timem:s6], [sflag:s22] =	dma.local [hbm:s4], s20  }
0x9e: {  	_ =	swait.ge [sflag:s22], s20  }
0x9f: {  	s3 =	ssub.s32 $0x0, s20;
	[sflag:s22] =	ssyncset.done $0x0  }
0xa0: {  	[sflag:s22] =	ssyncadd.s32 s3;
	_ =	sdelay $0x1  }
0xa1: {  	s23 =	simm.s32 $0x1B8B  }
0xa2: {  	_ =	swait.ge [sflag:s23], $0x1  }
0xa3: {  	[sflag:s23] =	ssyncset.done $0x0  }
0xa4: {  	s25 =	simm.s32 $0x1B8E;
	s24 =	sld [smem:$0x3FFE];
	[sflag:s23] =	ssyncadd.s32 $0xFFFFFFFF  }
0xa5: {  	s26 =	simm.s32 $execute0_lowered;
	[smem:$0x3FD2] =	sst s25  }
0xa6: {  	s4 =	sshll.u32 s26, $0x1;
	_ =	strace $0x80000046;
	[dreg:$0x1] =	wrdreg $0xFFFFFFFF  }
0xa7: {  	s28 =	simm.s32 $_size_execute0_lowered;
	s2 =	sadd.s32 s2, s4;
	[dreg:$0x0] =	wrdreg $0x0  }
0xa8: {  	s4 =	sshll.u32 s28, $0x1;
	[dreg:$0x2] =	wrdreg s2  }
0xa9: {  	[dreg:$0x3] =	wrdreg s4  }
0xaa: {  	[dreg:$0x4] =	wrdreg $0xC0  }
0xab: {  	_ =	task [dreg:s6], $0x5FFFF  }
0xac: {  	[dreg:$0x1] =	wrdreg $0xFFFFFFFF  }
0xad: {  	[dreg:$0x0] =	wrdreg $0x60  }
0xae: {  	[dreg:$0x2] =	wrdreg s24  }
0xaf: {  	[dreg:$0x3] =	wrdreg $0x41E00  }
0xb0: {  	[dreg:$0x4] =	wrdreg $0x9  }
0xb1: {  	_ =	task.clear_ibuf [dreg:s6], $0x5FFFF;
	_ =	strace $0x90000046  }
0xb2: {  	s29 =	simm.s32 $0x9;
	_ =	strace $0x80000048  }
0xb3: {  	_ =	swait.ge [sflag:s29], $0x1  }
0xb4: {  	[sflag:s29] =	ssyncadd.s32 $0xFFFFFFFF  }
0xb5: {  	_ =	strace $0x90000048  }
0xb6: {  	_ =	sfence  }
0xb7: {  	s30 =	sld [smem:$0x0];
	_ =	sdelay $0x2  }
0xb8: {  	s31 =	sshll.u32 s1, $0xD;
	s1 =	sshrl.u32 s1, $0x2  }
0xb9: {  	s3 =	sand.u32 $0x4000, s31;
	s1 =	sadd.s32 s1, s30  }
0xba: {  	s0 =	sor.u32 s3, s0;
	s1 =	sshll.u32 s1, $0x11  }
0xbb: {  	s0 =	sor.u32 s1, s0  }
0xbc: {  	s0 =	sadd.s32 $0x8F2B, s0  }
0xbd: {  	[sflag:s0] =	ssyncadd.remote.s32 $0x1  }
0xbe: {  	_ =	sfence.sel $0xFFFF  }
0xbf: {  	[dreg:$0x0] =	wrdreg $0xFFFFFFFF;
	(pc) =	sbr.abs _section_cstart, $3  }
0xc0: {  	[dreg:$0x1] =	wrdreg $0xFFFFFFFF  }
0xc1: {  	_ =	task.clear_ibuf [dreg:s6], $0x2FFFF;
	_ =	strace $0x9FFFFFFF  }
0xc2: {  	(tm) =	ssettm $0x7FFFFFFF  }
0xc3: {  	_ =	shalt  }
tec
execute0_lowered:
.L_overlay_start_1:
0x0: {  	(tag) =	ssettag $0x1  }
0x1: {  	s1 =	srdreg.scid;
	s5 =	rddreg [dreg:$0x0]  }
0x2: {  	s0 =	stileid.u32;
	s2 =	rddreg [dreg:$0x1];
	s3 =	simm.s32 $0x0  }
0x3: {  	s17 =	simm.s32 $0x1100;
	s18 =	simm.s32 $0x2;
	s19 =	simm.s32 $0x80  }
0x4: {  	s20 =	simm.s32 $0x100;
	s21 =	simm.s32 $0x1;
	s7 =	smul.u32 $0x18700, s0  }
0x5: {  	s6 =	sand.u32 $0x1, s1;
	s1 =	rddreg [dreg:$0x2];
	s9 =	smul.u32 $0x61C00, s0  }
0x6: {  	s23 =	simm.s32 $0x0;
	[smem:$0x7FF] =	sst s3;
	s4 =	smul.u32 $0xC380, s6  }
0x7: {  	s8 =	smul.u32 $0x187000, s6;
	_ =	strace $0x80000047;
	s6 =	ssub.s32 $0x2, s6  }
0x8: {  	s31 =	sshrl.u32 s6, $0x1;
	s9 =	sshrl.u32 s9, $0x2;
	s4 =	sadd.s32 s4, s7  }
0x9: {  	s22 =	sadd.s32 s7, s2;
	s8 =	sadd.s32 s7, s8;
	s4 =	sshrl.u32 s4, $0x3  }
0xa: {  	s22 =	sshrl.u32 s22, $0x3;
	s8 =	sshrl.u32 s8, $0x3;
	s16 =	sadd.s32 s4, s5  }
0xb: {  	s4 =	sadd.s32 $0x1600, s5;
	s5 =	sadd.s32 s8, s5;
	s8 =	ssub.s32 s6, s31  }
0xc: {  	s6 =	sadd.s32 s9, s2;
	s5 =	sadd.s32 $0x188200, s5;
	s7 =	smax.u32 s8, $0x1  }
0xd: {  	s8 =	sadd.s32 $0x30E0, s6;
	s9 =	sadd.s32 $0x61C0, s6;
	s10 =	sadd.s32 $0x92A0, s6  }
0xe: {  	s11 =	sadd.s32 $0xC380, s6;
	s12 =	sadd.s32 $0xF460, s6;
	s13 =	sadd.s32 $0x12540, s6  }
0xf: {  	v0 =	vimm.f32 $0.0e+00;
	s14 =	sadd.s32 $0x15620, s6;
	s15 =	sadd.s32 $0x32400, s16;
	s16 =	sadd.s32 $0x63200, s16  }
.LBB2_1:
0x10: {  	s24 =	simm.s32 $0x80;
	s25 =	simm.s32 $0x0  }
.LBB2_2:
0x11: {  	p0 =	sne.s32 s24, $0xC300;
	[tilespmem:s25+$0x1100] =	vst v0;
	s26 =	smov.u32 s24;
	s24 =	sadd.s32 $0x80, s24  }
.Ltmp0:
0x12: {  	[tilespmem:s25+$0x1110] =	vst v0;
	(pc) =	sbr.rel @p0 .LBB2_2-.Ltmp0, $2  }
0x13: {  	_ =	sdelay $0x2  }
0x14: {  	s25 =	sshra.s32 s26, $0x2  }
0x15: {  	[tilespmem:s25+$0x1100] =	vst v0  }
0x16: {  	[tilespmem:s25+$0x1110] =	vst v0  }
0x17: {  	[spmem:s6] =	stream.linear.scatter [tilespmem:s17], [sflag:$0x2], $0x30E0, $0x38;
	[tilespmem:$0x1C8E0] =	vst v63  }
0x18: {  	_ =	swait.ge [sflag:s18], $0x30E0  }
0x19: {  	[sflag:s18] =	ssyncset.done $0x0  }
0x1a: {  	[sflag:s18] =	ssyncadd.s32 $0xFFFFCF20  }
0x1b: {  	[spmem:s8] =	stream.linear.scatter [tilespmem:s17], [sflag:$0x2], $0x30E0, $0x38;
	[tilespmem:$0x1C8E0] =	vst v63  }
0x1c: {  	_ =	swait.ge [sflag:s18], $0x30E0  }
0x1d: {  	[sflag:s18] =	ssyncset.done $0x0  }
0x1e: {  	[sflag:s18] =	ssyncadd.s32 $0xFFFFCF20  }
0x1f: {  	[spmem:s9] =	stream.linear.scatter [tilespmem:s17], [sflag:$0x2], $0x30E0, $0x38;
	[tilespmem:$0x1C8E0] =	vst v63  }
0x20: {  	_ =	swait.ge [sflag:s18], $0x30E0  }
0x21: {  	[sflag:s18] =	ssyncset.done $0x0  }
0x22: {  	[sflag:s18] =	ssyncadd.s32 $0xFFFFCF20  }
0x23: {  	[spmem:s10] =	stream.linear.scatter [tilespmem:s17], [sflag:$0x2], $0x30E0, $0x38;
	[tilespmem:$0x1C8E0] =	vst v63  }
0x24: {  	_ =	swait.ge [sflag:s18], $0x30E0  }
0x25: {  	[sflag:s18] =	ssyncset.done $0x0  }
0x26: {  	[sflag:s18] =	ssyncadd.s32 $0xFFFFCF20  }
0x27: {  	[spmem:s11] =	stream.linear.scatter [tilespmem:s17], [sflag:$0x2], $0x30E0, $0x38;
	[tilespmem:$0x1C8E0] =	vst v63  }
0x28: {  	_ =	swait.ge [sflag:s18], $0x30E0  }
0x29: {  	[sflag:s18] =	ssyncset.done $0x0  }
0x2a: {  	[sflag:s18] =	ssyncadd.s32 $0xFFFFCF20  }
0x2b: {  	[spmem:s12] =	stream.linear.scatter [tilespmem:s17], [sflag:$0x2], $0x30E0, $0x38;
	[tilespmem:$0x1C8E0] =	vst v63  }
0x2c: {  	_ =	swait.ge [sflag:s18], $0x30E0  }
0x2d: {  	[sflag:s18] =	ssyncset.done $0x0  }
0x2e: {  	[sflag:s18] =	ssyncadd.s32 $0xFFFFCF20  }
0x2f: {  	[spmem:s13] =	stream.linear.scatter [tilespmem:s17], [sflag:$0x2], $0x30E0, $0x38;
	[tilespmem:$0x1C8E0] =	vst v63  }
0x30: {  	_ =	swait.ge [sflag:s18], $0x30E0  }
0x31: {  	[sflag:s18] =	ssyncset.done $0x0  }
0x32: {  	[sflag:s18] =	ssyncadd.s32 $0xFFFFCF20  }
0x33: {  	[spmem:s14] =	stream.linear.scatter [tilespmem:s17], [sflag:$0x2], $0x30E0, $0x38;
	[tilespmem:$0x1C8E0] =	vst v63  }
0x34: {  	_ =	swait.ge [sflag:s18], $0x30E0  }
0x35: {  	[sflag:s18] =	ssyncset.done $0x0  }
0x36: {  	[sflag:s18] =	ssyncadd.s32 $0xFFFFCF20  }
0x37: {  	s24 =	sadd.s32 $0x0, s16;
	[bflag:$0x0] =	sbarrier.arrive $0xFFFF  }
0x38: {  	[tilespmem:s3], [sflag:$0x2] =	stream.linear.gather [hbm4b:s24+s3], $0x80, $0x38;
	[tilespmem:$0x1C8E0] =	vst v63  }
0x39: {  	_ =	swait.ge [sflag:s18], $0x80  }
0x3a: {  	[sflag:s18] =	ssyncset.done $0x0  }
0x3b: {  	s31 =	sadd.s32 $0x0, s15;
	[sflag:s18] =	ssyncadd.s32 $0xFFFFFF80  }
0x3c: {  	[tilespmem:s19], [sflag:$0x2] =	stream.linear.gather [hbm4b:s31+s3], $0x80, $0x38;
	[tilespmem:$0x1C8E0] =	vst v63  }
0x3d: {  	_ =	swait.ge [sflag:s18], $0x80  }
0x3e: {  	[sflag:s18] =	ssyncset.done $0x0  }
0x3f: {  	[sflag:s18] =	ssyncadd.s32 $0xFFFFFF80  }
0x40: {  	[tilespmem:s20], [sflag:$0x1] =	stream.indirect.gather [hbm4b:s4+s19], $0x20, s3, s19, $0xb8;
	[tilespmem:$0x1C8E0] =	vst v63  }
0x41: {  	_ =	swait.ge [sflag:s21], $0x1000  }
0x42: {  	[sflag:s21] =	ssyncset.done $0x0  }
0x43: {  	[sflag:s21] =	ssyncadd.s32 $0xFFFFF000  }
0x44: {  	[spmem:s2] =	stream.indirect.scatter.add.f32 [tilespmem:s20], [sflag:$0x2], $0x20, s19, s19, $0xb8;
	[tilespmem:$0x1C8E0] =	vst v63  }
0x45: {  	_ =	swait.ge [sflag:s18], $0x1000  }
0x46: {  	s25 =	simm.s32 $0x20;
	s24 =	simm.s32 $0x10;
	[sflag:s18] =	ssyncset.done $0x0  }
.LBB2_4:
0x47: {  	s26 =	sadd.s32 s24, s16  }
0x48: {  	[sflag:s18] =	ssyncadd.s32 $0xFFFFF000;
	s28 =	smov.u32 s25;
	s29 =	sadd.s32 $0x10, s25  }
0x49: {  	[tilespmem:s3], [sflag:$0x2] =	stream.linear.gather [hbm4b:s26+s3], $0x80, $0x38;
	[tilespmem:$0x1C8E0] =	vst v63  }
0x4a: {  	p0 =	sne.s32 s25, $0x1860;
	_ =	swait.ge [sflag:s18], $0x80  }
0x4b: {  	[sflag:s18] =	ssyncset.done $0x0  }
0x4c: {  	s25 =	sadd.s32 s24, s15;
	s24 =	smov.u32 s28;
	[sflag:s18] =	ssyncadd.s32 $0xFFFFFF80  }
0x4d: {  	[tilespmem:s19], [sflag:$0x2] =	stream.linear.gather [hbm4b:s25+s3], $0x80, $0x38;
	[tilespmem:$0x1C8E0] =	vst v63  }
0x4e: {  	_ =	swait.ge [sflag:s18], $0x80  }
0x4f: {  	[sflag:s18] =	ssyncset.done $0x0  }
0x50: {  	[sflag:s18] =	ssyncadd.s32 $0xFFFFFF80  }
0x51: {  	[tilespmem:s20], [sflag:$0x1] =	stream.indirect.gather [hbm4b:s4+s19], $0x20, s3, s19, $0xb8;
	[tilespmem:$0x1C8E0] =	vst v63  }
0x52: {  	_ =	swait.ge [sflag:s21], $0x1000  }
.Ltmp1:
0x53: {  	[sflag:s21] =	ssyncset.done $0x0;
	(pc) =	sbr.rel @p0 .LBB2_4-.Ltmp1, $4  }
0x54: {  	[sflag:s21] =	ssyncadd.s32 $0xFFFFF000  }
0x55: {  	[spmem:s2] =	stream.indirect.scatter.add.f32 [tilespmem:s20], [sflag:$0x2], $0x20, s19, s19, $0xb8;
	[tilespmem:$0x1C8E0] =	vst v63  }
0x56: {  	_ =	swait.ge [sflag:s18], $0x1000  }
0x57: {  	s25 =	smov.u32 s29;
	[sflag:s18] =	ssyncset.done $0x0  }
0x58: {  	s25 =	sadd.s32 s24, s16;
	[sflag:s18] =	ssyncadd.s32 $0xFFFFF000  }
0x59: {  	[tilespmem:s3], [sflag:$0x2] =	stream.linear.gather [hbm4b:s25+s3], $0x80, $0x38;
	[tilespmem:$0x1C8E0] =	vst v63  }
0x5a: {  	_ =	swait.ge [sflag:s18], $0x80  }
0x5b: {  	[sflag:s18] =	ssyncset.done $0x0  }
0x5c: {  	s30 =	sadd.s32 s24, s15;
	[sflag:s18] =	ssyncadd.s32 $0xFFFFFF80  }
0x5d: {  	[tilespmem:s19], [sflag:$0x2] =	stream.linear.gather [hbm4b:s30+s3], $0x80, $0x38;
	[tilespmem:$0x1C8E0] =	vst v63  }
0x5e: {  	_ =	swait.ge [sflag:s18], $0x80  }
0x5f: {  	[sflag:s18] =	ssyncset.done $0x0  }
0x60: {  	[sflag:s18] =	ssyncadd.s32 $0xFFFFFF80  }
0x61: {  	[tilespmem:s20], [sflag:$0x1] =	stream.indirect.gather [hbm4b:s4+s19], $0x20, s3, s19, $0xb8;
	[tilespmem:$0x1C8E0] =	vst v63  }
0x62: {  	_ =	swait.ge [sflag:s21], $0x1000  }
0x63: {  	[sflag:s21] =	ssyncset.done $0x0  }
0x64: {  	[sflag:s21] =	ssyncadd.s32 $0xFFFFF000  }
0x65: {  	[spmem:s2] =	stream.indirect.scatter.add.f32 [tilespmem:s20], [sflag:$0x2], $0x20, s19, s19, $0xb8;
	[tilespmem:$0x1C8E0] =	vst v63  }
0x66: {  	_ =	swait.ge [sflag:s18], $0x1000  }
0x67: {  	s23 =	sadd.s32 $0x1, s23;
	[sflag:s18] =	ssyncset.done $0x0  }
0x68: {  	s31 =	sshll.u32 s0, $0x6;
	p0 =	sne.s32 s23, s7;
	[sflag:s18] =	ssyncadd.s32 $0xFFFFF000  }
.Ltmp2:
0x69: {  	s24 =	sor.u32 $0x1C02, s31;
	[bflag:$0x0] =	sbarrier.arrive $0xFFFF;
	(pc) =	sbr.rel @p0 .LBB2_1-.Ltmp2, $4  }
0x6a: {  	[hbm:s5], [sflag:s24] =	dma.local [spmem:s22], $0x30E0  }
0x6b: {  	_ =	swait.ge [sflag:s18], $0x30E0  }
0x6c: {  	[sflag:s18] =	ssyncset.done $0x0  }
0x6d: {  	[sflag:s18] =	ssyncadd.s32 $0xFFFFCF20  }
0x6e: {  	_ =	sfence.sel $0x180000  }
0x6f: {  	[bflag:$0x0] =	sbarrier.arrive $0xFFFF  }
0x70: {  	p0 =	sne.s32 s0, $0x0;
	_ =	strace $0x90000047  }
0x71: {  	s0 =	sadd.s32 @!p0 $0x100000, s1;
	[bflag:$0x2] =	sbarrier.arrive $0xFFFF  }
0x72: {  	[sflag:s0] =	ssyncadd.tile.s32 @!p0 $0x1;
	_ =	shalt  }
.Lfunc_end2:
_tile_overlayer_lowered:
.L_overlay_start_2:
0x73: {  	(tag) =	ssettag $0x2  }
0x74: {  	s0 =	rddreg [dreg:$0x0];
	s2 =	stileid.u32  }
0x75: {  	s1 =	rddreg [dreg:$0x1];
	p0 =	sne.s32 s2, $0x0  }
0x76: {  	s3 =	rddreg [dreg:$0x2];
	[bflag:$0x3] =	sbarrier.arrive $0xFFFF;
	s2 =	simm.s32 @!p0 $0x1C02  }
0x77: {  	[timem:s3], [sflag:s2] =	dma.local @!p0 [hbm:s0], s1  }
0x78: {  	s0 =	simm.s32 @!p0 $0x2  }
0x79: {  	_ =	swait.ge @!p0 [sflag:s0], s1  }
0x7a: {  	s1 =	ssub.s32 @!p0 $0x0, s1;
	[sflag:s0] =	ssyncset.done @!p0 $0x0  }
0x7b: {  	[sflag:s0] =	ssyncadd.s32 @!p0 s1  }
0x7c: {  	[bflag:$0x3] =	sbarrier.arrive $0xFFFF  }
0x7d: {  	_ =	shalt  }

</sc_bundles>
